<compile_context>
chip_gen: v7x
topology: tpu7x:2x2x1
jax: 0.10.2.dev20260603
libtpu: 0.0.44.dev20260713+nightly
codegen_flags: <defaults>
</compile_context>

<pallas_src>
import functools

import jax
import jax.numpy as jnp
from jax import lax
from jax.experimental import pallas as pl
from jax.experimental.pallas import tpu as pltpu
from jax.experimental.pallas import tpu_sc as plsc

_N = 10000
_E = 320000
_D = 128
_G = 128
_EPS = 1e-5

_NC = 2
_NS = 16
_NW = _NC * _NS
_C = 80
_NCH = 125
_EP = _NW * _NCH * _C
_NSH = _N
_RPS = 624
_RTAIL = _N - _NS * _RPS
_CNT_CH = 1000
_R = 400


def _zero_acc(z2_hbm, acc_sh, s):
    zoff = pl.multiple_of(s * _RPS, 8)
    pltpu.sync_copy(z2_hbm.at[pl.ds(zoff, _RPS)],
                    acc_sh.at[pl.ds(zoff, _RPS)])

    @pl.when(s == 0)
    def _():
        pltpu.sync_copy(z2_hbm.at[pl.ds(_NS * _RPS, _RTAIL)],
                        acc_sh.at[pl.ds(_NS * _RPS, _RTAIL)])


def _acc_out_copy(acc_sh, acc_out, c, s):
    zoff = pl.multiple_of(s * _RPS, 8)
    ooff = pl.multiple_of(c * _N + s * _RPS, 8)
    pltpu.sync_copy(acc_sh.at[pl.ds(zoff, _RPS)],
                    acc_out.at[pl.ds(ooff, _RPS)])

    @pl.when(s == 0)
    def _():
        toff = pl.multiple_of(c * _N + _NS * _RPS, 8)
        pltpu.sync_copy(acc_sh.at[pl.ds(_NS * _RPS, _RTAIL)],
                        acc_out.at[pl.ds(toff, _RTAIL)])


def _make_agg_body(with_cnt):

    def body(x_hbm, eidx_hbm, z2_hbm, *refs):
        if with_cnt:
            (z1_hbm, acc_out, cnt_out, idx_a, idx_b, rows_a, rows_b, ones_v,
             cntb_v, acc_sh, cnt_sh, isem_a, isem_b, gsem_a, gsem_b) = refs
        else:
            (acc_out, idx_a, idx_b, rows_a, rows_b, acc_sh,
             isem_a, isem_b, gsem_a, gsem_b) = refs
        c = lax.axis_index("c")
        s = lax.axis_index("s")
        wid = c * _NS + s
        base = wid * _NCH

        pltpu.async_copy(eidx_hbm.at[base], idx_a, isem_a)
        pltpu.async_copy(eidx_hbm.at[base + 1], idx_b, isem_b)

        _zero_acc(z2_hbm, acc_sh, s)

        if with_cnt:
            @pl.when(s < _N // _CNT_CH)
            def _():
                coff = pl.multiple_of(s * _CNT_CH, 8)
                pltpu.sync_copy(z1_hbm.at[pl.ds(coff, _CNT_CH)], cntb_v)
                pltpu.sync_copy(cntb_v, cnt_sh.at[pl.ds(coff, _CNT_CH)])

            ones16 = jnp.full((16,), 1.0, jnp.float32)
            for j in range(_C // 16):
                ones_v[pl.ds(j * 16, 16)] = ones16

        pltpu.make_async_copy(eidx_hbm.at[base], idx_a, isem_a).wait()
        pltpu.async_copy(x_hbm.at[idx_a.at[0]], rows_a, gsem_a)
        plsc.subcore_barrier()

        def scatter(rows, idx):
            pltpu.sync_copy(rows, acc_sh.at[idx.at[1]], add=True)
            if with_cnt:
                pltpu.sync_copy(ones_v, cnt_sh.at[idx.at[1]], add=True)

        def pair(k, carry):
            i0 = 2 * k
            pltpu.make_async_copy(eidx_hbm.at[base + i0 + 1], idx_b,
                                  isem_b).wait()
            pltpu.async_copy(x_hbm.at[idx_b.at[0]], rows_b, gsem_b)
            pltpu.make_async_copy(x_hbm.at[idx_a.at[0]], rows_a,
                                  gsem_a).wait()
            scatter(rows_a, idx_a)
            pltpu.async_copy(eidx_hbm.at[base + i0 + 2], idx_a, isem_a)
            pltpu.make_async_copy(eidx_hbm.at[base + i0 + 2], idx_a,
                                  isem_a).wait()
            pltpu.async_copy(x_hbm.at[idx_a.at[0]], rows_a, gsem_a)
            pltpu.make_async_copy(x_hbm.at[idx_b.at[0]], rows_b,
                                  gsem_b).wait()
            scatter(rows_b, idx_b)

            @pl.when(k < _NCH // 2 - 1)
            def _():
                pltpu.async_copy(eidx_hbm.at[base + i0 + 3], idx_b, isem_b)

            return carry

        lax.fori_loop(0, _NCH // 2, pair, 0)

        pltpu.make_async_copy(x_hbm.at[idx_a.at[0]], rows_a, gsem_a).wait()
        scatter(rows_a, idx_a)

        plsc.subcore_barrier()

        _acc_out_copy(acc_sh, acc_out, c, s)

        if with_cnt:
            @pl.when(s < _N // _CNT_CH)
            def _():
                coff = pl.multiple_of(s * _CNT_CH, 8)
                off = pl.multiple_of(c * _N + s * _CNT_CH, 8)
                pltpu.sync_copy(cnt_sh.at[pl.ds(coff, _CNT_CH)], cntb_v)
                pltpu.sync_copy(cntb_v, cnt_out.at[pl.ds(off, _CNT_CH)])

    return body


@functools.lru_cache(maxsize=None)
def _build_agg(with_cnt):
    mesh = plsc.VectorSubcoreMesh(core_axis_name="c", subcore_axis_name="s",
                                  num_cores=_NC, num_subcores=_NS)
    if with_cnt:
        return pl.kernel(
            _make_agg_body(True),
            out_type=(jax.ShapeDtypeStruct((_NC * _N, _D), jnp.float32),
                      jax.ShapeDtypeStruct((_NC * _N,), jnp.float32)),
            mesh=mesh,
            scratch_types=[
                pltpu.VMEM((2, _C), jnp.int32),
                pltpu.VMEM((2, _C), jnp.int32),
                pltpu.VMEM((_C, _D), jnp.float32),
                pltpu.VMEM((_C, _D), jnp.float32),
                pltpu.VMEM((_C,), jnp.float32),
                pltpu.VMEM((_CNT_CH,), jnp.float32),
                pltpu.VMEM_SHARED((_NSH, _D), jnp.float32),
                pltpu.VMEM_SHARED((_NSH,), jnp.float32),
                pltpu.SemaphoreType.DMA,
                pltpu.SemaphoreType.DMA,
                pltpu.SemaphoreType.DMA,
                pltpu.SemaphoreType.DMA,
            ],
        )
    return pl.kernel(
        _make_agg_body(False),
        out_type=jax.ShapeDtypeStruct((_NC * _N, _D), jnp.float32),
        mesh=mesh,
        scratch_types=[
            pltpu.VMEM((2, _C), jnp.int32),
            pltpu.VMEM((2, _C), jnp.int32),
            pltpu.VMEM((_C, _D), jnp.float32),
            pltpu.VMEM((_C, _D), jnp.float32),
            pltpu.VMEM_SHARED((_NSH, _D), jnp.float32),
            pltpu.SemaphoreType.DMA,
            pltpu.SemaphoreType.DMA,
            pltpu.SemaphoreType.DMA,
            pltpu.SemaphoreType.DMA,
        ],
    )


def _pack_edges(edge_index):
    return jnp.stack([edge_index[0].reshape(_NW * _NCH, _C),
                      edge_index[1].reshape(_NW * _NCH, _C)], axis=1)


def _sc_aggregate(x, eidx, with_cnt):
    z2 = jnp.zeros((_N, _D), jnp.float32)
    if with_cnt:
        z1 = jnp.zeros((_N,), jnp.float32)
        acc, cnt = _build_agg(True)(x, eidx, z2, z1)
        return acc.reshape(_NC, _N, _D), cnt.reshape(_NC, _N, 1)
    acc = _build_agg(False)(x, eidx, z2)
    return acc.reshape(_NC, _N, _D)


def _combine_pass(acc0_r, acc1_r, cnt0_r, cnt1_r, x_r, wl_r, bl_r, wr_r,
                  h_sc, st_sc, i):
    agg = acc0_r[0] + acc1_r[0]
    cnt = cnt0_r[0] + cnt1_r[0]
    mean = agg / jnp.maximum(cnt, 1.0)
    h = (jnp.dot(mean, wl_r[...], preferred_element_type=jnp.float32)
         + jnp.dot(x_r[...], wr_r[...], preferred_element_type=jnp.float32)
         + bl_r[...])
    h_sc[pl.ds(i * _R, _R), :] = h
    ssum = jnp.sum(h, axis=0, keepdims=True)
    ssq = jnp.sum(h * h, axis=0, keepdims=True)
    st = jnp.concatenate([ssum, ssq, jnp.zeros((6, _D), jnp.float32)], axis=0)

    @pl.when(i == 0)
    def _():
        st_sc[...] = st

    @pl.when(i > 0)
    def _():
        st_sc[...] = st_sc[...] + st


def _normed(h_sc, st_sc, g_r, be_r, i):
    st = st_sc[...]
    mu = st[0:1, :] * (1.0 / _N)
    var = st[1:2, :] * (1.0 / _N) - mu * mu
    h = h_sc[pl.ds(i * _R, _R), :]
    return jnp.maximum(
        g_r[...] * (h - mu) * lax.rsqrt(var + _EPS) + be_r[...], 0.0)


def _layer1_body(acc0_r, acc1_r, cnt0_r, cnt1_r, x_r, wl_r, bl_r, wr_r,
                 g_r, be_r, o_r, h_sc, st_sc):
    p = pl.program_id(0)
    i = pl.program_id(1)

    @pl.when(p == 0)
    def _():
        _combine_pass(acc0_r, acc1_r, cnt0_r, cnt1_r, x_r, wl_r, bl_r, wr_r,
                      h_sc, st_sc, i)

    @pl.when(p == 1)
    def _():
        o_r[...] = _normed(h_sc, st_sc, g_r, be_r, i)


def _tc_layer1(acc, cnt, x, wl, bl, wr, g, be):
    return pl.pallas_call(
        _layer1_body,
        grid=(2, _N // _R),
        in_specs=[
            pl.BlockSpec((1, _R, _D), lambda p, i: (0, i * (1 - p), 0)),
            pl.BlockSpec((1, _R, _D), lambda p, i: (1, i * (1 - p), 0)),
            pl.BlockSpec((1, _R, 1), lambda p, i: (0, i * (1 - p), 0)),
            pl.BlockSpec((1, _R, 1), lambda p, i: (1, i * (1 - p), 0)),
            pl.BlockSpec((_R, _D), lambda p, i: (i * (1 - p), 0)),
            pl.BlockSpec((_D, _D), lambda p, i: (0, 0)),
            pl.BlockSpec((1, _D), lambda p, i: (0, 0)),
            pl.BlockSpec((_D, _D), lambda p, i: (0, 0)),
            pl.BlockSpec((1, _D), lambda p, i: (0, 0)),
            pl.BlockSpec((1, _D), lambda p, i: (0, 0)),
        ],
        out_specs=pl.BlockSpec((_R, _D), lambda p, i: (i * p, 0)),
        out_shape=jax.ShapeDtypeStruct((_N, _D), jnp.float32),
        scratch_shapes=[pltpu.VMEM((_N, _D), jnp.float32),
                        pltpu.VMEM((8, _D), jnp.float32)],
    )(acc, acc, cnt, cnt, x, wl, bl, wr, g, be)


def _layer2_body(acc0_r, acc1_r, cnt0_r, cnt1_r, x_r, wl_r, bl_r, wr_r,
                 g_r, be_r, b_r, w1_r, b1_r, w2_r, b2_r, o_r,
                 h_sc, st_sc, pool_sc):
    p = pl.program_id(0)
    i = pl.program_id(1)

    @pl.when(p == 0)
    def _():
        _combine_pass(acc0_r, acc1_r, cnt0_r, cnt1_r, x_r, wl_r, bl_r, wr_r,
                      h_sc, st_sc, i)

    @pl.when(p == 1)
    def _():
        h2 = _normed(h_sc, st_sc, g_r, be_r, i)
        onehot = (b_r[...] == lax.broadcasted_iota(jnp.int32, (_R, _G), 1)
                  ).astype(jnp.float32)
        pp = lax.dot_general(onehot, h2, (((0,), (0,)), ((), ())),
                             preferred_element_type=jnp.float32)

        @pl.when(i == 0)
        def _():
            pool_sc[...] = pp

        @pl.when(i > 0)
        def _():
            pool_sc[...] = pool_sc[...] + pp

        @pl.when(i == pl.num_programs(1) - 1)
        def _():
            t = jnp.maximum(
                jnp.dot(pool_sc[...], w1_r[...],
                        preferred_element_type=jnp.float32) + b1_r[...], 0.0)
            o_r[...] = (jnp.dot(t, w2_r[...],
                                preferred_element_type=jnp.float32) + b2_r[...])


def _tc_layer2(acc, cnt, h1, wl, bl, wr, g, be, batch2d, w1, b1, w2, b2):
    return pl.pallas_call(
        _layer2_body,
        grid=(2, _N // _R),
        in_specs=[
            pl.BlockSpec((1, _R, _D), lambda p, i: (0, i * (1 - p), 0)),
            pl.BlockSpec((1, _R, _D), lambda p, i: (1, i * (1 - p), 0)),
            pl.BlockSpec((1, _R, 1), lambda p, i: (0, i * (1 - p), 0)),
            pl.BlockSpec((1, _R, 1), lambda p, i: (1, i * (1 - p), 0)),
            pl.BlockSpec((_R, _D), lambda p, i: (i * (1 - p), 0)),
            pl.BlockSpec((_D, _D), lambda p, i: (0, 0)),
            pl.BlockSpec((1, _D), lambda p, i: (0, 0)),
            pl.BlockSpec((_D, _D), lambda p, i: (0, 0)),
            pl.BlockSpec((1, _D), lambda p, i: (0, 0)),
            pl.BlockSpec((1, _D), lambda p, i: (0, 0)),
            pl.BlockSpec((_R, 1), lambda p, i: (i * p, 0)),
            pl.BlockSpec((_D, _D // 2), lambda p, i: (0, 0)),
            pl.BlockSpec((1, _D // 2), lambda p, i: (0, 0)),
            pl.BlockSpec((_D // 2, 1), lambda p, i: (0, 0)),
            pl.BlockSpec((1, 1), lambda p, i: (0, 0)),
        ],
        out_specs=pl.BlockSpec((_G, 1), lambda p, i: (0, 0)),
        out_shape=jax.ShapeDtypeStruct((_G, 1), jnp.float32),
        scratch_shapes=[pltpu.VMEM((_N, _D), jnp.float32),
                        pltpu.VMEM((8, _D), jnp.float32),
                        pltpu.VMEM((_G, _G), jnp.float32)],
    )(acc, acc, cnt, cnt, h1, wl, bl, wr, g, be, batch2d, w1, b1, w2, b2)


def kernel(x, edge_index, batch, Wl0, bl0, Wr0, g0, be0,
           Wl1, bl1, Wr1, g1, be1, fcW1, fcb1, fcW2, fcb2):
    eidx = _pack_edges(edge_index)

    acc0, cnt = _sc_aggregate(x, eidx, True)
    h1 = _tc_layer1(acc0, cnt, x, Wl0, bl0.reshape(1, _D), Wr0,
                    g0.reshape(1, _D), be0.reshape(1, _D))

    acc1 = _sc_aggregate(h1, eidx, False)
    return _tc_layer2(acc1, cnt, h1, Wl1, bl1.reshape(1, _D), Wr1,
                      g1.reshape(1, _D), be1.reshape(1, _D),
                      batch.reshape(_N, 1), fcW1, fcb1.reshape(1, _D // 2),
                      fcW2, fcb2.reshape(1, 1))

# --- scband reference (transcript-rebuilt; emitter-appended) ---
"""Pipeline reference for scband-graph-relation-network-49143015800983 (READ-ONLY COPY).

The authoritative reference and input builder live on the scoring server;
editing this copy changes nothing except your own understanding.
"""

import jax, jax.numpy as jnp
import numpy as np

N = 10000
E = 320000
DIN = 128
DH = 128
DO = 128
G = 128
EPS = 1e-5


def setup_inputs(seed: int = 0) -> dict:
    key = jax.random.key(seed)
    ks = jax.random.split(key, 20)
    x = jax.random.normal(ks[0], (N, DIN), dtype=jnp.float32)
    edge_index = jax.random.randint(ks[1], (2, E), 0, N, dtype=jnp.int32)
    batch = jnp.sort(jax.random.randint(ks[2], (N,), 0, G, dtype=jnp.int32))
    s = 0.05
    # SAGEConv layer 0: lin_l (aggregated neighbors, with bias), lin_r (root, no bias)
    Wl0 = jax.random.normal(ks[3], (DIN, DH), dtype=jnp.float32) * s
    bl0 = jnp.zeros((DH,), dtype=jnp.float32)
    Wr0 = jax.random.normal(ks[4], (DIN, DH), dtype=jnp.float32) * s
    g0 = jnp.ones((DH,), dtype=jnp.float32)
    be0 = jnp.zeros((DH,), dtype=jnp.float32)
    # SAGEConv layer 1
    Wl1 = jax.random.normal(ks[5], (DH, DO), dtype=jnp.float32) * s
    bl1 = jnp.zeros((DO,), dtype=jnp.float32)
    Wr1 = jax.random.normal(ks[6], (DH, DO), dtype=jnp.float32) * s
    g1 = jnp.ones((DO,), dtype=jnp.float32)
    be1 = jnp.zeros((DO,), dtype=jnp.float32)
    # fc head: Linear(DO, DO//2) -> ReLU -> Linear(DO//2, 1)
    fcW1 = jax.random.normal(ks[7], (DO, DO // 2), dtype=jnp.float32) * s
    fcb1 = jnp.zeros((DO // 2,), dtype=jnp.float32)
    fcW2 = jax.random.normal(ks[8], (DO // 2, 1), dtype=jnp.float32) * s
    fcb2 = jnp.zeros((1,), dtype=jnp.float32)
    return {
        "x": x, "edge_index": edge_index, "batch": batch,
        "Wl0": Wl0, "bl0": bl0, "Wr0": Wr0, "g0": g0, "be0": be0,
        "Wl1": Wl1, "bl1": bl1, "Wr1": Wr1, "g1": g1, "be1": be1,
        "fcW1": fcW1, "fcb1": fcb1, "fcW2": fcW2, "fcb2": fcb2,
    }


def _sage_conv(x, edge_index, Wl, bl, Wr):
    # PyG SAGEConv (mean aggr): out = lin_l(mean_{j in N(i)} x_j) + lin_r(x_i)
    src = edge_index[0]
    dst = edge_index[1]
    msg = jnp.take(x, src, axis=0)
    agg = jax.ops.segment_sum(msg, dst, num_segments=N)
    cnt = jax.ops.segment_sum(jnp.ones((msg.shape[0], 1), dtype=x.dtype), dst, num_segments=N)
    mean = agg / jnp.clip(cnt, 1.0, None)
    return mean @ Wl + bl + x @ Wr


def _batch_norm(h, gamma, beta):
    mu = jnp.mean(h, axis=0)
    var = jnp.var(h, axis=0)
    return gamma * (h - mu) / jnp.sqrt(var + EPS) + beta


def reference(x, edge_index, batch, Wl0, bl0, Wr0, g0, be0, Wl1, bl1, Wr1, g1, be1, fcW1, fcb1, fcW2, fcb2):
    h = _sage_conv(x, edge_index, Wl0, bl0, Wr0)
    h = _batch_norm(h, g0, be0)
    h = jax.nn.relu(h)
    h = _sage_conv(h, edge_index, Wl1, bl1, Wr1)
    h = _batch_norm(h, g1, be1)
    h = jax.nn.relu(h)
    pooled = jax.ops.segment_sum(h, batch, num_segments=G)
    out = jax.nn.relu(pooled @ fcW1 + fcb1) @ fcW2 + fcb2
    return out

if __name__ == "__main__":
    import jax
    _d = setup_inputs()
    print(jax.jit(kernel)(*tuple(_d.values())))

</pallas_src>

<mosaic_0001>
#map = affine_map<(d0, d1) -> (0, 0)>
#map1 = affine_map<(d0, d1) -> (0, 0, 0)>
#map2 = affine_map<(d0, d1) -> (0)>
module attributes {stable_mosaic.version = 14 : i64} {
  func.func @body(%arg0: i32, %arg1: i32, %arg2: memref<10000x128xf32, #tpu.memory_space<hbm>>, %arg3: memref<4000x2x80xi32, #tpu.memory_space<hbm>>, %arg4: memref<10000x128xf32, #tpu.memory_space<hbm>>, %arg5: memref<10000xf32, #tpu.memory_space<hbm>>, %arg6: memref<20000x128xf32, #tpu.memory_space<hbm>>, %arg7: memref<20000xf32, #tpu.memory_space<hbm>>, %arg8: memref<2x80xi32, #tpu.memory_space<vmem>>, %arg9: memref<2x80xi32, #tpu.memory_space<vmem>>, %arg10: memref<80x128xf32, #tpu.memory_space<vmem>>, %arg11: memref<80x128xf32, #tpu.memory_space<vmem>>, %arg12: memref<80xf32, #tpu.memory_space<vmem>>, %arg13: memref<1000xf32, #tpu.memory_space<vmem>>, %arg14: memref<10000x128xf32, #tpu.memory_space<vmem_shared>>, %arg15: memref<10000xf32, #tpu.memory_space<vmem_shared>>, %arg16: memref<!tpu.dma_semaphore, #tpu.memory_space<semaphore_mem>>, %arg17: memref<!tpu.dma_semaphore, #tpu.memory_space<semaphore_mem>>, %arg18: memref<!tpu.dma_semaphore, #tpu.memory_space<semaphore_mem>>, %arg19: memref<!tpu.dma_semaphore, #tpu.memory_space<semaphore_mem>>) attributes {dimension_semantics = [#tpu.dimension_semantics<core_parallel>, #tpu.dimension_semantics<subcore_parallel>], iteration_bounds = array<i64: 2, 16>, scalar_prefetch = 0 : i64, scratch_operands = 12 : i64, tpu.core_type = #tpu.core_type<sc_vector_subcore>, window_params = [{transform_indices = #map}, {transform_indices = #map1}, {transform_indices = #map}, {transform_indices = #map2}, {transform_indices = #map}, {transform_indices = #map2}]} {
    %mul3A = arith.constant 16 : i32
    %mul3A_0 = arith.muli %arg0, %mul3A : i32
    %add3A = arith.addi %mul3A_0, %arg1 : i32
    %mul3A_1 = arith.constant 125 : i32
    %mul3A_2 = arith.muli %add3A, %mul3A_1 : i32
    %dma_start3A = arith.constant 0 : i32
    %dma_start3A_3 = arith.constant 0 : i32
    %dma_start3A_4 = tpu.memref_slice %arg3[%mul3A_2, %dma_start3A, %dma_start3A_3] : memref<4000x2x80xi32, #tpu.memory_space<hbm>> -> memref<1x2x80xi32, #tpu.memory_space<hbm>>
    %dma_start3A_5 = tpu.memref_squeeze %dma_start3A_4 : memref<1x2x80xi32, #tpu.memory_space<hbm>> -> memref<2x80xi32, #tpu.memory_space<hbm>>
    %dma_start3A_6 = arith.constant 0 : i32
    %dma_start3A_7 = arith.constant 0 : i32
    %dma_start3A_8 = tpu.memref_slice %arg3[%mul3A_2, %dma_start3A_6, %dma_start3A_7] : memref<4000x2x80xi32, #tpu.memory_space<hbm>> -> memref<1x2x80xi32, #tpu.memory_space<hbm>>
    %dma_start3A_9 = tpu.memref_squeeze %dma_start3A_8 : memref<1x2x80xi32, #tpu.memory_space<hbm>> -> memref<2x80xi32, #tpu.memory_space<hbm>>
    tpu.enqueue_dma source(%dma_start3A_9 : memref<2x80xi32, #tpu.memory_space<hbm>>) target(%arg8 : memref<2x80xi32, #tpu.memory_space<vmem>>) target_semaphore(%arg16 : memref<!tpu.dma_semaphore, #tpu.memory_space<semaphore_mem>>)
    %add3A_10 = arith.constant 1 : i32
    %add3A_11 = arith.addi %mul3A_2, %add3A_10 : i32
    %dma_start3A_12 = arith.constant 0 : i32
    %dma_start3A_13 = arith.constant 0 : i32
    %dma_start3A_14 = tpu.memref_slice %arg3[%add3A_11, %dma_start3A_12, %dma_start3A_13] : memref<4000x2x80xi32, #tpu.memory_space<hbm>> -> memref<1x2x80xi32, #tpu.memory_space<hbm>>
    %dma_start3A_15 = tpu.memref_squeeze %dma_start3A_14 : memref<1x2x80xi32, #tpu.memory_space<hbm>> -> memref<2x80xi32, #tpu.memory_space<hbm>>
    %dma_start3A_16 = arith.constant 0 : i32
    %dma_start3A_17 = arith.constant 0 : i32
    %dma_start3A_18 = tpu.memref_slice %arg3[%add3A_11, %dma_start3A_16, %dma_start3A_17] : memref<4000x2x80xi32, #tpu.memory_space<hbm>> -> memref<1x2x80xi32, #tpu.memory_space<hbm>>
    %dma_start3A_19 = tpu.memref_squeeze %dma_start3A_18 : memref<1x2x80xi32, #tpu.memory_space<hbm>> -> memref<2x80xi32, #tpu.memory_space<hbm>>
    tpu.enqueue_dma source(%dma_start3A_19 : memref<2x80xi32, #tpu.memory_space<hbm>>) target(%arg9 : memref<2x80xi32, #tpu.memory_space<vmem>>) target_semaphore(%arg17 : memref<!tpu.dma_semaphore, #tpu.memory_space<semaphore_mem>>)
    %mul3A_20 = arith.constant 624 : i32
    %mul3A_21 = arith.muli %arg1, %mul3A_20 : i32
    %multiple_of3A = tpu.assume_multiple %mul3A_21, 8 : i32
    "tpu.region"() ({
      %run_scoped3A_95 = tpu.sem_alloc : memref<!tpu.dma_semaphore, #tpu.memory_space<semaphore_mem>>
      %dma_start3A_96 = arith.constant 0 : i32
      %dma_start3A_97 = tpu.memref_slice %arg14[%multiple_of3A, %dma_start3A_96] : memref<10000x128xf32, #tpu.memory_space<vmem_shared>> -> memref<624x128xf32, #tpu.memory_space<vmem_shared>>
      %dma_start3A_98 = arith.constant 0 : i32
      %dma_start3A_99 = tpu.memref_slice %arg4[%multiple_of3A, %dma_start3A_98] : memref<10000x128xf32, #tpu.memory_space<hbm>> -> memref<624x128xf32, #tpu.memory_space<hbm>>
      tpu.enqueue_dma source(%dma_start3A_99 : memref<624x128xf32, #tpu.memory_space<hbm>>) target(%dma_start3A_97 : memref<624x128xf32, #tpu.memory_space<vmem_shared>>) target_semaphore(%run_scoped3A_95 : memref<!tpu.dma_semaphore, #tpu.memory_space<semaphore_mem>>)
      %dma_wait3A_100 = arith.constant 0 : i32
      %dma_wait3A_101 = tpu.memref_slice %arg14[%multiple_of3A, %dma_wait3A_100] : memref<10000x128xf32, #tpu.memory_space<vmem_shared>> -> memref<624x128xf32, #tpu.memory_space<vmem_shared>>
      %dma_wait3A_102 = arith.constant 0 : i32
      %dma_wait3A_103 = tpu.memref_slice %arg4[%multiple_of3A, %dma_wait3A_102] : memref<10000x128xf32, #tpu.memory_space<hbm>> -> memref<624x128xf32, #tpu.memory_space<hbm>>
      tpu.wait_dma2 semaphore(%run_scoped3A_95 : memref<!tpu.dma_semaphore, #tpu.memory_space<semaphore_mem>>) src(%dma_wait3A_103 : memref<624x128xf32, #tpu.memory_space<hbm>>) dst(%dma_wait3A_101 : memref<624x128xf32, #tpu.memory_space<vmem_shared>>)
      tpu.yield
    }) : () -> ()
    %eq3A = arith.constant 0 : i32
    %eq3A_22 = arith.cmpi eq, %arg1, %eq3A : i32
    %convert_element_type3A = arith.extui %eq3A_22 : i1 to i32
    %cond3A = arith.constant 0 : i32
    %cond3A_23 = arith.cmpi ne, %convert_element_type3A, %cond3A : i32
    scf.if %cond3A_23 {
      "tpu.region"() ({
        %run_scoped3A_95 = tpu.sem_alloc : memref<!tpu.dma_semaphore, #tpu.memory_space<semaphore_mem>>
        %dma_start3A_96 = arith.constant 9984 : i32
        %dma_start3A_97 = arith.constant 0 : i32
        %dma_start3A_98 = tpu.memref_slice %arg14[%dma_start3A_96, %dma_start3A_97] : memref<10000x128xf32, #tpu.memory_space<vmem_shared>> -> memref<16x128xf32, #tpu.memory_space<vmem_shared>>
        %dma_start3A_99 = arith.constant 9984 : i32
        %dma_start3A_100 = arith.constant 0 : i32
        %dma_start3A_101 = tpu.memref_slice %arg4[%dma_start3A_99, %dma_start3A_100] : memref<10000x128xf32, #tpu.memory_space<hbm>> -> memref<16x128xf32, #tpu.memory_space<hbm>>
        tpu.enqueue_dma source(%dma_start3A_101 : memref<16x128xf32, #tpu.memory_space<hbm>>) target(%dma_start3A_98 : memref<16x128xf32, #tpu.memory_space<vmem_shared>>) target_semaphore(%run_scoped3A_95 : memref<!tpu.dma_semaphore, #tpu.memory_space<semaphore_mem>>)
        %dma_wait3A_102 = arith.constant 9984 : i32
        %dma_wait3A_103 = arith.constant 0 : i32
        %dma_wait3A_104 = tpu.memref_slice %arg14[%dma_wait3A_102, %dma_wait3A_103] : memref<10000x128xf32, #tpu.memory_space<vmem_shared>> -> memref<16x128xf32, #tpu.memory_space<vmem_shared>>
        %dma_wait3A_105 = arith.constant 9984 : i32
        %dma_wait3A_106 = arith.constant 0 : i32
        %dma_wait3A_107 = tpu.memref_slice %arg4[%dma_wait3A_105, %dma_wait3A_106] : memref<10000x128xf32, #tpu.memory_space<hbm>> -> memref<16x128xf32, #tpu.memory_space<hbm>>
        tpu.wait_dma2 semaphore(%run_scoped3A_95 : memref<!tpu.dma_semaphore, #tpu.memory_space<semaphore_mem>>) src(%dma_wait3A_107 : memref<16x128xf32, #tpu.memory_space<hbm>>) dst(%dma_wait3A_104 : memref<16x128xf32, #tpu.memory_space<vmem_shared>>)
        tpu.yield
      }) : () -> ()
    } else {
    }
    %lt3A = arith.constant 10 : i32
    %lt3A_24 = arith.cmpi slt, %arg1, %lt3A : i32
    %convert_element_type3A_25 = arith.extui %lt3A_24 : i1 to i32
    %cond3A_26 = arith.constant 0 : i32
    %cond3A_27 = arith.cmpi ne, %convert_element_type3A_25, %cond3A_26 : i32
    scf.if %cond3A_27 {
      %mul3A_95 = arith.constant 1000 : i32
      %mul3A_96 = arith.muli %arg1, %mul3A_95 : i32
      %multiple_of3A_97 = tpu.assume_multiple %mul3A_96, 8 : i32
      "tpu.region"() ({
        %run_scoped3A_98 = tpu.sem_alloc : memref<!tpu.dma_semaphore, #tpu.memory_space<semaphore_mem>>
        %dma_start3A_99 = tpu.memref_slice %arg5[%multiple_of3A_97] : memref<10000xf32, #tpu.memory_space<hbm>> -> memref<1000xf32, #tpu.memory_space<hbm>>
        %dma_start3A_100 = tpu.memref_slice %arg5[%multiple_of3A_97] : memref<10000xf32, #tpu.memory_space<hbm>> -> memref<1000xf32, #tpu.memory_space<hbm>>
        tpu.enqueue_dma source(%dma_start3A_100 : memref<1000xf32, #tpu.memory_space<hbm>>) target(%arg13 : memref<1000xf32, #tpu.memory_space<vmem>>) target_semaphore(%run_scoped3A_98 : memref<!tpu.dma_semaphore, #tpu.memory_space<semaphore_mem>>)
        %dma_wait3A_101 = tpu.memref_slice %arg5[%multiple_of3A_97] : memref<10000xf32, #tpu.memory_space<hbm>> -> memref<1000xf32, #tpu.memory_space<hbm>>
        %dma_wait3A_102 = tpu.memref_slice %arg5[%multiple_of3A_97] : memref<10000xf32, #tpu.memory_space<hbm>> -> memref<1000xf32, #tpu.memory_space<hbm>>
        tpu.wait_dma2 semaphore(%run_scoped3A_98 : memref<!tpu.dma_semaphore, #tpu.memory_space<semaphore_mem>>) src(%dma_wait3A_102 : memref<1000xf32, #tpu.memory_space<hbm>>) dst(%arg13 : memref<1000xf32, #tpu.memory_space<vmem>>)
        tpu.yield
      }) : () -> ()
      "tpu.region"() ({
        %run_scoped3A_98 = tpu.sem_alloc : memref<!tpu.dma_semaphore, #tpu.memory_space<semaphore_mem>>
        %dma_start3A_99 = tpu.memref_slice %arg15[%multiple_of3A_97] : memref<10000xf32, #tpu.memory_space<vmem_shared>> -> memref<1000xf32, #tpu.memory_space<vmem_shared>>
        %dma_start3A_100 = tpu.memref_slice %arg15[%multiple_of3A_97] : memref<10000xf32, #tpu.memory_space<vmem_shared>> -> memref<1000xf32, #tpu.memory_space<vmem_shared>>
        tpu.enqueue_dma source(%arg13 : memref<1000xf32, #tpu.memory_space<vmem>>) target(%dma_start3A_100 : memref<1000xf32, #tpu.memory_space<vmem_shared>>) target_semaphore(%run_scoped3A_98 : memref<!tpu.dma_semaphore, #tpu.memory_space<semaphore_mem>>)
        %dma_wait3A_101 = tpu.memref_slice %arg15[%multiple_of3A_97] : memref<10000xf32, #tpu.memory_space<vmem_shared>> -> memref<1000xf32, #tpu.memory_space<vmem_shared>>
        %dma_wait3A_102 = tpu.memref_slice %arg15[%multiple_of3A_97] : memref<10000xf32, #tpu.memory_space<vmem_shared>> -> memref<1000xf32, #tpu.memory_space<vmem_shared>>
        tpu.wait_dma2 semaphore(%run_scoped3A_98 : memref<!tpu.dma_semaphore, #tpu.memory_space<semaphore_mem>>) src(%arg13 : memref<1000xf32, #tpu.memory_space<vmem>>) dst(%dma_wait3A_102 : memref<1000xf32, #tpu.memory_space<vmem_shared>>)
        tpu.yield
      }) : () -> ()
    } else {
    }
    %broadcast_in_dim3A = arith.constant 1.000000e+00 : f32
    %broadcast_in_dim3A_28 = vector.broadcast %broadcast_in_dim3A : f32 to vector<16xf32>
    %swap3A = arith.constant 0 : index
    %swap3A_29 = tpu.vector_load %arg12[%swap3A] {strides = array<i32>} : memref<80xf32, #tpu.memory_space<vmem>>, vector<16xf32>,
    %swap3A_30 = vector.shape_cast %swap3A_29 : vector<16xf32> to vector<16xf32>
    %swap3A_31 = vector.shape_cast %broadcast_in_dim3A_28 : vector<16xf32> to vector<16xf32>
    tpu.vector_store %arg12[%swap3A], %swap3A_31 {strides = array<i32>} : memref<80xf32, #tpu.memory_space<vmem>>, vector<16xf32>,
    %swap3A_32 = arith.constant 16 : index
    %swap3A_33 = tpu.vector_load %arg12[%swap3A_32] {strides = array<i32>} : memref<80xf32, #tpu.memory_space<vmem>>, vector<16xf32>,
    %swap3A_34 = vector.shape_cast %swap3A_33 : vector<16xf32> to vector<16xf32>
    %swap3A_35 = vector.shape_cast %broadcast_in_dim3A_28 : vector<16xf32> to vector<16xf32>
    tpu.vector_store %arg12[%swap3A_32], %swap3A_35 {strides = array<i32>} : memref<80xf32, #tpu.memory_space<vmem>>, vector<16xf32>,
    %swap3A_36 = arith.constant 32 : index
    %swap3A_37 = tpu.vector_load %arg12[%swap3A_36] {strides = array<i32>} : memref<80xf32, #tpu.memory_space<vmem>>, vector<16xf32>,
    %swap3A_38 = vector.shape_cast %swap3A_37 : vector<16xf32> to vector<16xf32>
    %swap3A_39 = vector.shape_cast %broadcast_in_dim3A_28 : vector<16xf32> to vector<16xf32>
    tpu.vector_store %arg12[%swap3A_36], %swap3A_39 {strides = array<i32>} : memref<80xf32, #tpu.memory_space<vmem>>, vector<16xf32>,
    %swap3A_40 = arith.constant 48 : index
    %swap3A_41 = tpu.vector_load %arg12[%swap3A_40] {strides = array<i32>} : memref<80xf32, #tpu.memory_space<vmem>>, vector<16xf32>,
    %swap3A_42 = vector.shape_cast %swap3A_41 : vector<16xf32> to vector<16xf32>
    %swap3A_43 = vector.shape_cast %broadcast_in_dim3A_28 : vector<16xf32> to vector<16xf32>
    tpu.vector_store %arg12[%swap3A_40], %swap3A_43 {strides = array<i32>} : memref<80xf32, #tpu.memory_space<vmem>>, vector<16xf32>,
    %swap3A_44 = arith.constant 64 : index
    %swap3A_45 = tpu.vector_load %arg12[%swap3A_44] {strides = array<i32>} : memref<80xf32, #tpu.memory_space<vmem>>, vector<16xf32>,
    %swap3A_46 = vector.shape_cast %swap3A_45 : vector<16xf32> to vector<16xf32>
    %swap3A_47 = vector.shape_cast %broadcast_in_dim3A_28 : vector<16xf32> to vector<16xf32>
    tpu.vector_store %arg12[%swap3A_44], %swap3A_47 {strides = array<i32>} : memref<80xf32, #tpu.memory_space<vmem>>, vector<16xf32>,
    %dma_wait3A = arith.constant 0 : i32
    %dma_wait3A_48 = arith.constant 0 : i32
    %dma_wait3A_49 = tpu.memref_slice %arg3[%mul3A_2, %dma_wait3A, %dma_wait3A_48] : memref<4000x2x80xi32, #tpu.memory_space<hbm>> -> memref<1x2x80xi32, #tpu.memory_space<hbm>>
    %dma_wait3A_50 = tpu.memref_squeeze %dma_wait3A_49 : memref<1x2x80xi32, #tpu.memory_space<hbm>> -> memref<2x80xi32, #tpu.memory_space<hbm>>
    %dma_wait3A_51 = arith.constant 0 : i32
    %dma_wait3A_52 = arith.constant 0 : i32
    %dma_wait3A_53 = tpu.memref_slice %arg3[%mul3A_2, %dma_wait3A_51, %dma_wait3A_52] : memref<4000x2x80xi32, #tpu.memory_space<hbm>> -> memref<1x2x80xi32, #tpu.memory_space<hbm>>
    %dma_wait3A_54 = tpu.memref_squeeze %dma_wait3A_53 : memref<1x2x80xi32, #tpu.memory_space<hbm>> -> memref<2x80xi32, #tpu.memory_space<hbm>>
    tpu.wait_dma2 semaphore(%arg16 : memref<!tpu.dma_semaphore, #tpu.memory_space<semaphore_mem>>) src(%dma_wait3A_54 : memref<2x80xi32, #tpu.memory_space<hbm>>) dst(%arg8 : memref<2x80xi32, #tpu.memory_space<vmem>>)
    %dma_start3A_55 = arith.constant 0 : i32
    %dma_start3A_56 = arith.constant 0 : i32
    %dma_start3A_57 = tpu.memref_slice %arg8[%dma_start3A_55, %dma_start3A_56] : memref<2x80xi32, #tpu.memory_space<vmem>> -> memref<1x80xi32, #tpu.memory_space<vmem>>
    %dma_start3A_58 = tpu.memref_squeeze %dma_start3A_57 : memref<1x80xi32, #tpu.memory_space<vmem>> -> memref<80xi32, #tpu.memory_space<vmem>>
    %dma_start3A_59 = arith.constant 0 : i32
    %dma_start3A_60 = arith.constant 0 : i32
    %dma_start3A_61 = tpu.memref_slice %arg2[%dma_start3A_59, %dma_start3A_60] : memref<10000x128xf32, #tpu.memory_space<hbm>> -> memref<10000x128xf32, #tpu.memory_space<hbm>>
    tpu.enqueue_indirect_dma source(%dma_start3A_61 : memref<10000x128xf32, #tpu.memory_space<hbm>>) target(%arg10 : memref<80x128xf32, #tpu.memory_space<vmem>>) offsets(%dma_start3A_58 : memref<80xi32, #tpu.memory_space<vmem>>) semaphore(%arg18 : memref<!tpu.dma_semaphore, #tpu.memory_space<semaphore_mem>>)
    %barrier3A = arith.constant 0 : index
    tpu.barrier barrier_id(%barrier3A)
    %scan3A = arith.constant 0 : i32
    %scan3A_62 = arith.constant 0 : i32
    %scan3A_63 = arith.constant 62 : i32
    %scan3A_64 = arith.addi %scan3A_62, %scan3A_63 : i32
    %scan3A_65 = arith.constant 1 : i32
    scf.for %scan3A_95 = %scan3A_62 to %scan3A_64 step %scan3A_65  : i32 {
      %mul3A_96 = arith.constant 2 : i32
      %mul3A_97 = arith.muli %mul3A_96, %scan3A_95 : i32
      %add3A_98 = arith.addi %mul3A_2, %mul3A_97 : i32
      %add3A_99 = arith.constant 1 : i32
      %add3A_100 = arith.addi %add3A_98, %add3A_99 : i32
      %dma_wait3A_101 = arith.constant 0 : i32
      %dma_wait3A_102 = arith.constant 0 : i32
      %dma_wait3A_103 = tpu.memref_slice %arg3[%add3A_100, %dma_wait3A_101, %dma_wait3A_102] : memref<4000x2x80xi32, #tpu.memory_space<hbm>> -> memref<1x2x80xi32, #tpu.memory_space<hbm>>
      %dma_wait3A_104 = tpu.memref_squeeze %dma_wait3A_103 : memref<1x2x80xi32, #tpu.memory_space<hbm>> -> memref<2x80xi32, #tpu.memory_space<hbm>>
      %dma_wait3A_105 = arith.constant 0 : i32
      %dma_wait3A_106 = arith.constant 0 : i32
      %dma_wait3A_107 = tpu.memref_slice %arg3[%add3A_100, %dma_wait3A_105, %dma_wait3A_106] : memref<4000x2x80xi32, #tpu.memory_space<hbm>> -> memref<1x2x80xi32, #tpu.memory_space<hbm>>
      %dma_wait3A_108 = tpu.memref_squeeze %dma_wait3A_107 : memref<1x2x80xi32, #tpu.memory_space<hbm>> -> memref<2x80xi32, #tpu.memory_space<hbm>>
      tpu.wait_dma2 semaphore(%arg17 : memref<!tpu.dma_semaphore, #tpu.memory_space<semaphore_mem>>) src(%dma_wait3A_108 : memref<2x80xi32, #tpu.memory_space<hbm>>) dst(%arg9 : memref<2x80xi32, #tpu.memory_space<vmem>>)
      %dma_start3A_109 = arith.constant 0 : i32
      %dma_start3A_110 = arith.constant 0 : i32
      %dma_start3A_111 = tpu.memref_slice %arg9[%dma_start3A_109, %dma_start3A_110] : memref<2x80xi32, #tpu.memory_space<vmem>> -> memref<1x80xi32, #tpu.memory_space<vmem>>
      %dma_start3A_112 = tpu.memref_squeeze %dma_start3A_111 : memref<1x80xi32, #tpu.memory_space<vmem>> -> memref<80xi32, #tpu.memory_space<vmem>>
      %dma_start3A_113 = arith.constant 0 : i32
      %dma_start3A_114 = arith.constant 0 : i32
      %dma_start3A_115 = tpu.memref_slice %arg2[%dma_start3A_113, %dma_start3A_114] : memref<10000x128xf32, #tpu.memory_space<hbm>> -> memref<10000x128xf32, #tpu.memory_space<hbm>>
      tpu.enqueue_indirect_dma source(%dma_start3A_115 : memref<10000x128xf32, #tpu.memory_space<hbm>>) target(%arg11 : memref<80x128xf32, #tpu.memory_space<vmem>>) offsets(%dma_start3A_112 : memref<80xi32, #tpu.memory_space<vmem>>) semaphore(%arg19 : memref<!tpu.dma_semaphore, #tpu.memory_space<semaphore_mem>>)
      %dma_wait3A_116 = arith.constant 0 : i32
      %dma_wait3A_117 = arith.constant 0 : i32
      %dma_wait3A_118 = tpu.memref_slice %arg8[%dma_wait3A_116, %dma_wait3A_117] : memref<2x80xi32, #tpu.memory_space<vmem>> -> memref<1x80xi32, #tpu.memory_space<vmem>>
      %dma_wait3A_119 = tpu.memref_squeeze %dma_wait3A_118 : memref<1x80xi32, #tpu.memory_space<vmem>> -> memref<80xi32, #tpu.memory_space<vmem>>
      %dma_wait3A_120 = arith.constant 0 : i32
      %dma_wait3A_121 = arith.constant 0 : i32
      %dma_wait3A_122 = tpu.memref_slice %arg2[%dma_wait3A_120, %dma_wait3A_121] : memref<10000x128xf32, #tpu.memory_space<hbm>> -> memref<10000x128xf32, #tpu.memory_space<hbm>>
      tpu.wait_indirect_dma semaphore(%arg18 : memref<!tpu.dma_semaphore, #tpu.memory_space<semaphore_mem>>) src(%dma_wait3A_122 : memref<10000x128xf32, #tpu.memory_space<hbm>>) dst(%arg10 : memref<80x128xf32, #tpu.memory_space<vmem>>)
      %run_scoped3A_123 = arith.constant 1 : i32
      "tpu.region"() ({
        %run_scoped3A_168 = tpu.sem_alloc : memref<!tpu.dma_semaphore, #tpu.memory_space<semaphore_mem>>
        %dma_start3A_169 = arith.constant 0 : i32
        %dma_start3A_170 = tpu.memref_slice %arg8[%run_scoped3A_123, %dma_start3A_169] : memref<2x80xi32, #tpu.memory_space<vmem>> -> memref<1x80xi32, #tpu.memory_space<vmem>>
        %dma_start3A_171 = tpu.memref_squeeze %dma_start3A_170 : memref<1x80xi32, #tpu.memory_space<vmem>> -> memref<80xi32, #tpu.memory_space<vmem>>
        %dma_start3A_172 = arith.constant 0 : i32
        %dma_start3A_173 = arith.constant 0 : i32
        %dma_start3A_174 = tpu.memref_slice %arg14[%dma_start3A_172, %dma_start3A_173] : memref<10000x128xf32, #tpu.memory_space<vmem_shared>> -> memref<10000x128xf32, #tpu.memory_space<vmem_shared>>
        tpu.enqueue_indirect_dma source(%arg10 : memref<80x128xf32, #tpu.memory_space<vmem>>) target(%dma_start3A_174 : memref<10000x128xf32, #tpu.memory_space<vmem_shared>>) offsets(%dma_start3A_171 : memref<80xi32, #tpu.memory_space<vmem>>) semaphore(%run_scoped3A_168 : memref<!tpu.dma_semaphore, #tpu.memory_space<semaphore_mem>>) {add = true}
        %dma_wait3A_175 = arith.constant 0 : i32
        %dma_wait3A_176 = tpu.memref_slice %arg8[%run_scoped3A_123, %dma_wait3A_175] : memref<2x80xi32, #tpu.memory_space<vmem>> -> memref<1x80xi32, #tpu.memory_space<vmem>>
        %dma_wait3A_177 = tpu.memref_squeeze %dma_wait3A_176 : memref<1x80xi32, #tpu.memory_space<vmem>> -> memref<80xi32, #tpu.memory_space<vmem>>
        %dma_wait3A_178 = arith.constant 0 : i32
        %dma_wait3A_179 = arith.constant 0 : i32
        %dma_wait3A_180 = tpu.memref_slice %arg14[%dma_wait3A_178, %dma_wait3A_179] : memref<10000x128xf32, #tpu.memory_space<vmem_shared>> -> memref<10000x128xf32, #tpu.memory_space<vmem_shared>>
        tpu.wait_indirect_dma semaphore(%run_scoped3A_168 : memref<!tpu.dma_semaphore, #tpu.memory_space<semaphore_mem>>) src(%arg10 : memref<80x128xf32, #tpu.memory_space<vmem>>) dst(%dma_wait3A_180 : memref<10000x128xf32, #tpu.memory_space<vmem_shared>>)
        tpu.yield
      }) : () -> ()
      %run_scoped3A_124 = arith.constant 1 : i32
      "tpu.region"() ({
        %run_scoped3A_168 = tpu.sem_alloc : memref<!tpu.dma_semaphore, #tpu.memory_space<semaphore_mem>>
        %dma_start3A_169 = arith.constant 0 : i32
        %dma_start3A_170 = tpu.memref_slice %arg8[%run_scoped3A_124, %dma_start3A_169] : memref<2x80xi32, #tpu.memory_space<vmem>> -> memref<1x80xi32, #tpu.memory_space<vmem>>
        %dma_start3A_171 = tpu.memref_squeeze %dma_start3A_170 : memref<1x80xi32, #tpu.memory_space<vmem>> -> memref<80xi32, #tpu.memory_space<vmem>>
        %dma_start3A_172 = arith.constant 0 : i32
        %dma_start3A_173 = tpu.memref_slice %arg15[%dma_start3A_172] : memref<10000xf32, #tpu.memory_space<vmem_shared>> -> memref<10000xf32, #tpu.memory_space<vmem_shared>>
        tpu.enqueue_indirect_dma source(%arg12 : memref<80xf32, #tpu.memory_space<vmem>>) target(%dma_start3A_173 : memref<10000xf32, #tpu.memory_space<vmem_shared>>) offsets(%dma_start3A_171 : memref<80xi32, #tpu.memory_space<vmem>>) semaphore(%run_scoped3A_168 : memref<!tpu.dma_semaphore, #tpu.memory_space<semaphore_mem>>) {add = true}
        %dma_wait3A_174 = arith.constant 0 : i32
        %dma_wait3A_175 = tpu.memref_slice %arg8[%run_scoped3A_124, %dma_wait3A_174] : memref<2x80xi32, #tpu.memory_space<vmem>> -> memref<1x80xi32, #tpu.memory_space<vmem>>
        %dma_wait3A_176 = tpu.memref_squeeze %dma_wait3A_175 : memref<1x80xi32, #tpu.memory_space<vmem>> -> memref<80xi32, #tpu.memory_space<vmem>>
        %dma_wait3A_177 = arith.constant 0 : i32
        %dma_wait3A_178 = tpu.memref_slice %arg15[%dma_wait3A_177] : memref<10000xf32, #tpu.memory_space<vmem_shared>> -> memref<10000xf32, #tpu.memory_space<vmem_shared>>
        tpu.wait_indirect_dma semaphore(%run_scoped3A_168 : memref<!tpu.dma_semaphore, #tpu.memory_space<semaphore_mem>>) src(%arg12 : memref<80xf32, #tpu.memory_space<vmem>>) dst(%dma_wait3A_178 : memref<10000xf32, #tpu.memory_space<vmem_shared>>)
        tpu.yield
      }) : () -> ()
      %add3A_125 = arith.addi %mul3A_2, %mul3A_97 : i32
      %add3A_126 = arith.constant 2 : i32
      %add3A_127 = arith.addi %add3A_125, %add3A_126 : i32
      %dma_start3A_128 = arith.constant 0 : i32
      %dma_start3A_129 = arith.constant 0 : i32
      %dma_start3A_130 = tpu.memref_slice %arg3[%add3A_127, %dma_start3A_128, %dma_start3A_129] : memref<4000x2x80xi32, #tpu.memory_space<hbm>> -> memref<1x2x80xi32, #tpu.memory_space<hbm>>
      %dma_start3A_131 = tpu.memref_squeeze %dma_start3A_130 : memref<1x2x80xi32, #tpu.memory_space<hbm>> -> memref<2x80xi32, #tpu.memory_space<hbm>>
      %dma_start3A_132 = arith.constant 0 : i32
      %dma_start3A_133 = arith.constant 0 : i32
      %dma_start3A_134 = tpu.memref_slice %arg3[%add3A_127, %dma_start3A_132, %dma_start3A_133] : memref<4000x2x80xi32, #tpu.memory_space<hbm>> -> memref<1x2x80xi32, #tpu.memory_space<hbm>>
      %dma_start3A_135 = tpu.memref_squeeze %dma_start3A_134 : memref<1x2x80xi32, #tpu.memory_space<hbm>> -> memref<2x80xi32, #tpu.memory_space<hbm>>
      tpu.enqueue_dma source(%dma_start3A_135 : memref<2x80xi32, #tpu.memory_space<hbm>>) target(%arg8 : memref<2x80xi32, #tpu.memory_space<vmem>>) target_semaphore(%arg16 : memref<!tpu.dma_semaphore, #tpu.memory_space<semaphore_mem>>)
      %add3A_136 = arith.addi %mul3A_2, %mul3A_97 : i32
      %add3A_137 = arith.constant 2 : i32
      %add3A_138 = arith.addi %add3A_136, %add3A_137 : i32
      %dma_wait3A_139 = arith.constant 0 : i32
      %dma_wait3A_140 = arith.constant 0 : i32
      %dma_wait3A_141 = tpu.memref_slice %arg3[%add3A_138, %dma_wait3A_139, %dma_wait3A_140] : memref<4000x2x80xi32, #tpu.memory_space<hbm>> -> memref<1x2x80xi32, #tpu.memory_space<hbm>>
      %dma_wait3A_142 = tpu.memref_squeeze %dma_wait3A_141 : memref<1x2x80xi32, #tpu.memory_space<hbm>> -> memref<2x80xi32, #tpu.memory_space<hbm>>
      %dma_wait3A_143 = arith.constant 0 : i32
      %dma_wait3A_144 = arith.constant 0 : i32
      %dma_wait3A_145 = tpu.memref_slice %arg3[%add3A_138, %dma_wait3A_143, %dma_wait3A_144] : memref<4000x2x80xi32, #tpu.memory_space<hbm>> -> memref<1x2x80xi32, #tpu.memory_space<hbm>>
      %dma_wait3A_146 = tpu.memref_squeeze %dma_wait3A_145 : memref<1x2x80xi32, #tpu.memory_space<hbm>> -> memref<2x80xi32, #tpu.memory_space<hbm>>
      tpu.wait_dma2 semaphore(%arg16 : memref<!tpu.dma_semaphore, #tpu.memory_space<semaphore_mem>>) src(%dma_wait3A_146 : memref<2x80xi32, #tpu.memory_space<hbm>>) dst(%arg8 : memref<2x80xi32, #tpu.memory_space<vmem>>)
      %dma_start3A_147 = arith.constant 0 : i32
      %dma_start3A_148 = arith.constant 0 : i32
      %dma_start3A_149 = tpu.memref_slice %arg8[%dma_start3A_147, %dma_start3A_148] : memref<2x80xi32, #tpu.memory_space<vmem>> -> memref<1x80xi32, #tpu.memory_space<vmem>>
      %dma_start3A_150 = tpu.memref_squeeze %dma_start3A_149 : memref<1x80xi32, #tpu.memory_space<vmem>> -> memref<80xi32, #tpu.memory_space<vmem>>
      %dma_start3A_151 = arith.constant 0 : i32
      %dma_start3A_152 = arith.constant 0 : i32
      %dma_start3A_153 = tpu.memref_slice %arg2[%dma_start3A_151, %dma_start3A_152] : memref<10000x128xf32, #tpu.memory_space<hbm>> -> memref<10000x128xf32, #tpu.memory_space<hbm>>
      tpu.enqueue_indirect_dma source(%dma_start3A_153 : memref<10000x128xf32, #tpu.memory_space<hbm>>) target(%arg10 : memref<80x128xf32, #tpu.memory_space<vmem>>) offsets(%dma_start3A_150 : memref<80xi32, #tpu.memory_space<vmem>>) semaphore(%arg18 : memref<!tpu.dma_semaphore, #tpu.memory_space<semaphore_mem>>)
      %dma_wait3A_154 = arith.constant 0 : i32
      %dma_wait3A_155 = arith.constant 0 : i32
      %dma_wait3A_156 = tpu.memref_slice %arg9[%dma_wait3A_154, %dma_wait3A_155] : memref<2x80xi32, #tpu.memory_space<vmem>> -> memref<1x80xi32, #tpu.memory_space<vmem>>
      %dma_wait3A_157 = tpu.memref_squeeze %dma_wait3A_156 : memref<1x80xi32, #tpu.memory_space<vmem>> -> memref<80xi32, #tpu.memory_space<vmem>>
      %dma_wait3A_158 = arith.constant 0 : i32
      %dma_wait3A_159 = arith.constant 0 : i32
      %dma_wait3A_160 = tpu.memref_slice %arg2[%dma_wait3A_158, %dma_wait3A_159] : memref<10000x128xf32, #tpu.memory_space<hbm>> -> memref<10000x128xf32, #tpu.memory_space<hbm>>
      tpu.wait_indirect_dma semaphore(%arg19 : memref<!tpu.dma_semaphore, #tpu.memory_space<semaphore_mem>>) src(%dma_wait3A_160 : memref<10000x128xf32, #tpu.memory_space<hbm>>) dst(%arg11 : memref<80x128xf32, #tpu.memory_space<vmem>>)
      %run_scoped3A_161 = arith.constant 1 : i32
      "tpu.region"() ({
        %run_scoped3A_168 = tpu.sem_alloc : memref<!tpu.dma_semaphore, #tpu.memory_space<semaphore_mem>>
        %dma_start3A_169 = arith.constant 0 : i32
        %dma_start3A_170 = tpu.memref_slice %arg9[%run_scoped3A_161, %dma_start3A_169] : memref<2x80xi32, #tpu.memory_space<vmem>> -> memref<1x80xi32, #tpu.memory_space<vmem>>
        %dma_start3A_171 = tpu.memref_squeeze %dma_start3A_170 : memref<1x80xi32, #tpu.memory_space<vmem>> -> memref<80xi32, #tpu.memory_space<vmem>>
        %dma_start3A_172 = arith.constant 0 : i32
        %dma_start3A_173 = arith.constant 0 : i32
        %dma_start3A_174 = tpu.memref_slice %arg14[%dma_start3A_172, %dma_start3A_173] : memref<10000x128xf32, #tpu.memory_space<vmem_shared>> -> memref<10000x128xf32, #tpu.memory_space<vmem_shared>>
        tpu.enqueue_indirect_dma source(%arg11 : memref<80x128xf32, #tpu.memory_space<vmem>>) target(%dma_start3A_174 : memref<10000x128xf32, #tpu.memory_space<vmem_shared>>) offsets(%dma_start3A_171 : memref<80xi32, #tpu.memory_space<vmem>>) semaphore(%run_scoped3A_168 : memref<!tpu.dma_semaphore, #tpu.memory_space<semaphore_mem>>) {add = true}
        %dma_wait3A_175 = arith.constant 0 : i32
        %dma_wait3A_176 = tpu.memref_slice %arg9[%run_scoped3A_161, %dma_wait3A_175] : memref<2x80xi32, #tpu.memory_space<vmem>> -> memref<1x80xi32, #tpu.memory_space<vmem>>
        %dma_wait3A_177 = tpu.memref_squeeze %dma_wait3A_176 : memref<1x80xi32, #tpu.memory_space<vmem>> -> memref<80xi32, #tpu.memory_space<vmem>>
        %dma_wait3A_178 = arith.constant 0 : i32
        %dma_wait3A_179 = arith.constant 0 : i32
        %dma_wait3A_180 = tpu.memref_slice %arg14[%dma_wait3A_178, %dma_wait3A_179] : memref<10000x128xf32, #tpu.memory_space<vmem_shared>> -> memref<10000x128xf32, #tpu.memory_space<vmem_shared>>
        tpu.wait_indirect_dma semaphore(%run_scoped3A_168 : memref<!tpu.dma_semaphore, #tpu.memory_space<semaphore_mem>>) src(%arg11 : memref<80x128xf32, #tpu.memory_space<vmem>>) dst(%dma_wait3A_180 : memref<10000x128xf32, #tpu.memory_space<vmem_shared>>)
        tpu.yield
      }) : () -> ()
      %run_scoped3A_162 = arith.constant 1 : i32
      "tpu.region"() ({
        %run_scoped3A_168 = tpu.sem_alloc : memref<!tpu.dma_semaphore, #tpu.memory_space<semaphore_mem>>
        %dma_start3A_169 = arith.constant 0 : i32
        %dma_start3A_170 = tpu.memref_slice %arg9[%run_scoped3A_162, %dma_start3A_169] : memref<2x80xi32, #tpu.memory_space<vmem>> -> memref<1x80xi32, #tpu.memory_space<vmem>>
        %dma_start3A_171 = tpu.memref_squeeze %dma_start3A_170 : memref<1x80xi32, #tpu.memory_space<vmem>> -> memref<80xi32, #tpu.memory_space<vmem>>
        %dma_start3A_172 = arith.constant 0 : i32
        %dma_start3A_173 = tpu.memref_slice %arg15[%dma_start3A_172] : memref<10000xf32, #tpu.memory_space<vmem_shared>> -> memref<10000xf32, #tpu.memory_space<vmem_shared>>
        tpu.enqueue_indirect_dma source(%arg12 : memref<80xf32, #tpu.memory_space<vmem>>) target(%dma_start3A_173 : memref<10000xf32, #tpu.memory_space<vmem_shared>>) offsets(%dma_start3A_171 : memref<80xi32, #tpu.memory_space<vmem>>) semaphore(%run_scoped3A_168 : memref<!tpu.dma_semaphore, #tpu.memory_space<semaphore_mem>>) {add = true}
        %dma_wait3A_174 = arith.constant 0 : i32
        %dma_wait3A_175 = tpu.memref_slice %arg9[%run_scoped3A_162, %dma_wait3A_174] : memref<2x80xi32, #tpu.memory_space<vmem>> -> memref<1x80xi32, #tpu.memory_space<vmem>>
        %dma_wait3A_176 = tpu.memref_squeeze %dma_wait3A_175 : memref<1x80xi32, #tpu.memory_space<vmem>> -> memref<80xi32, #tpu.memory_space<vmem>>
        %dma_wait3A_177 = arith.constant 0 : i32
        %dma_wait3A_178 = tpu.memref_slice %arg15[%dma_wait3A_177] : memref<10000xf32, #tpu.memory_space<vmem_shared>> -> memref<10000xf32, #tpu.memory_space<vmem_shared>>
        tpu.wait_indirect_dma semaphore(%run_scoped3A_168 : memref<!tpu.dma_semaphore, #tpu.memory_space<semaphore_mem>>) src(%arg12 : memref<80xf32, #tpu.memory_space<vmem>>) dst(%dma_wait3A_178 : memref<10000xf32, #tpu.memory_space<vmem_shared>>)
        tpu.yield
      }) : () -> ()
      %lt3A_163 = arith.constant 61 : i32
      %lt3A_164 = arith.cmpi slt, %scan3A_95, %lt3A_163 : i32
      %convert_element_type3A_165 = arith.extui %lt3A_164 : i1 to i32
      %cond3A_166 = arith.constant 0 : i32
      %cond3A_167 = arith.cmpi ne, %convert_element_type3A_165, %cond3A_166 : i32
      scf.if %cond3A_167 {
        %add3A_168 = arith.addi %mul3A_2, %mul3A_97 : i32
        %add3A_169 = arith.constant 3 : i32
        %add3A_170 = arith.addi %add3A_168, %add3A_169 : i32
        %dma_start3A_171 = arith.constant 0 : i32
        %dma_start3A_172 = arith.constant 0 : i32
        %dma_start3A_173 = tpu.memref_slice %arg3[%add3A_170, %dma_start3A_171, %dma_start3A_172] : memref<4000x2x80xi32, #tpu.memory_space<hbm>> -> memref<1x2x80xi32, #tpu.memory_space<hbm>>
        %dma_start3A_174 = tpu.memref_squeeze %dma_start3A_173 : memref<1x2x80xi32, #tpu.memory_space<hbm>> -> memref<2x80xi32, #tpu.memory_space<hbm>>
        %dma_start3A_175 = arith.constant 0 : i32
        %dma_start3A_176 = arith.constant 0 : i32
        %dma_start3A_177 = tpu.memref_slice %arg3[%add3A_170, %dma_start3A_175, %dma_start3A_176] : memref<4000x2x80xi32, #tpu.memory_space<hbm>> -> memref<1x2x80xi32, #tpu.memory_space<hbm>>
        %dma_start3A_178 = tpu.memref_squeeze %dma_start3A_177 : memref<1x2x80xi32, #tpu.memory_space<hbm>> -> memref<2x80xi32, #tpu.memory_space<hbm>>
        tpu.enqueue_dma source(%dma_start3A_178 : memref<2x80xi32, #tpu.memory_space<hbm>>) target(%arg9 : memref<2x80xi32, #tpu.memory_space<vmem>>) target_semaphore(%arg17 : memref<!tpu.dma_semaphore, #tpu.memory_space<semaphore_mem>>)
      } else {
      }
    }
    %scan3A_66 = arith.constant 62 : i32
    %dma_wait3A_67 = arith.constant 0 : i32
    %dma_wait3A_68 = arith.constant 0 : i32
    %dma_wait3A_69 = tpu.memref_slice %arg8[%dma_wait3A_67, %dma_wait3A_68] : memref<2x80xi32, #tpu.memory_space<vmem>> -> memref<1x80xi32, #tpu.memory_space<vmem>>
    %dma_wait3A_70 = tpu.memref_squeeze %dma_wait3A_69 : memref<1x80xi32, #tpu.memory_space<vmem>> -> memref<80xi32, #tpu.memory_space<vmem>>
    %dma_wait3A_71 = arith.constant 0 : i32
    %dma_wait3A_72 = arith.constant 0 : i32
    %dma_wait3A_73 = tpu.memref_slice %arg2[%dma_wait3A_71, %dma_wait3A_72] : memref<10000x128xf32, #tpu.memory_space<hbm>> -> memref<10000x128xf32, #tpu.memory_space<hbm>>
    tpu.wait_indirect_dma semaphore(%arg18 : memref<!tpu.dma_semaphore, #tpu.memory_space<semaphore_mem>>) src(%dma_wait3A_73 : memref<10000x128xf32, #tpu.memory_space<hbm>>) dst(%arg10 : memref<80x128xf32, #tpu.memory_space<vmem>>)
    %run_scoped3A = arith.constant 1 : i32
    "tpu.region"() ({
      %run_scoped3A_95 = tpu.sem_alloc : memref<!tpu.dma_semaphore, #tpu.memory_space<semaphore_mem>>
      %dma_start3A_96 = arith.constant 0 : i32
      %dma_start3A_97 = tpu.memref_slice %arg8[%run_scoped3A, %dma_start3A_96] : memref<2x80xi32, #tpu.memory_space<vmem>> -> memref<1x80xi32, #tpu.memory_space<vmem>>
      %dma_start3A_98 = tpu.memref_squeeze %dma_start3A_97 : memref<1x80xi32, #tpu.memory_space<vmem>> -> memref<80xi32, #tpu.memory_space<vmem>>
      %dma_start3A_99 = arith.constant 0 : i32
      %dma_start3A_100 = arith.constant 0 : i32
      %dma_start3A_101 = tpu.memref_slice %arg14[%dma_start3A_99, %dma_start3A_100] : memref<10000x128xf32, #tpu.memory_space<vmem_shared>> -> memref<10000x128xf32, #tpu.memory_space<vmem_shared>>
      tpu.enqueue_indirect_dma source(%arg10 : memref<80x128xf32, #tpu.memory_space<vmem>>) target(%dma_start3A_101 : memref<10000x128xf32, #tpu.memory_space<vmem_shared>>) offsets(%dma_start3A_98 : memref<80xi32, #tpu.memory_space<vmem>>) semaphore(%run_scoped3A_95 : memref<!tpu.dma_semaphore, #tpu.memory_space<semaphore_mem>>) {add = true}
      %dma_wait3A_102 = arith.constant 0 : i32
      %dma_wait3A_103 = tpu.memref_slice %arg8[%run_scoped3A, %dma_wait3A_102] : memref<2x80xi32, #tpu.memory_space<vmem>> -> memref<1x80xi32, #tpu.memory_space<vmem>>
      %dma_wait3A_104 = tpu.memref_squeeze %dma_wait3A_103 : memref<1x80xi32, #tpu.memory_space<vmem>> -> memref<80xi32, #tpu.memory_space<vmem>>
      %dma_wait3A_105 = arith.constant 0 : i32
      %dma_wait3A_106 = arith.constant 0 : i32
      %dma_wait3A_107 = tpu.memref_slice %arg14[%dma_wait3A_105, %dma_wait3A_106] : memref<10000x128xf32, #tpu.memory_space<vmem_shared>> -> memref<10000x128xf32, #tpu.memory_space<vmem_shared>>
      tpu.wait_indirect_dma semaphore(%run_scoped3A_95 : memref<!tpu.dma_semaphore, #tpu.memory_space<semaphore_mem>>) src(%arg10 : memref<80x128xf32, #tpu.memory_space<vmem>>) dst(%dma_wait3A_107 : memref<10000x128xf32, #tpu.memory_space<vmem_shared>>)
      tpu.yield
    }) : () -> ()
    %run_scoped3A_74 = arith.constant 1 : i32
    "tpu.region"() ({
      %run_scoped3A_95 = tpu.sem_alloc : memref<!tpu.dma_semaphore, #tpu.memory_space<semaphore_mem>>
      %dma_start3A_96 = arith.constant 0 : i32
      %dma_start3A_97 = tpu.memref_slice %arg8[%run_scoped3A_74, %dma_start3A_96] : memref<2x80xi32, #tpu.memory_space<vmem>> -> memref<1x80xi32, #tpu.memory_space<vmem>>
      %dma_start3A_98 = tpu.memref_squeeze %dma_start3A_97 : memref<1x80xi32, #tpu.memory_space<vmem>> -> memref<80xi32, #tpu.memory_space<vmem>>
      %dma_start3A_99 = arith.constant 0 : i32
      %dma_start3A_100 = tpu.memref_slice %arg15[%dma_start3A_99] : memref<10000xf32, #tpu.memory_space<vmem_shared>> -> memref<10000xf32, #tpu.memory_space<vmem_shared>>
      tpu.enqueue_indirect_dma source(%arg12 : memref<80xf32, #tpu.memory_space<vmem>>) target(%dma_start3A_100 : memref<10000xf32, #tpu.memory_space<vmem_shared>>) offsets(%dma_start3A_98 : memref<80xi32, #tpu.memory_space<vmem>>) semaphore(%run_scoped3A_95 : memref<!tpu.dma_semaphore, #tpu.memory_space<semaphore_mem>>) {add = true}
      %dma_wait3A_101 = arith.constant 0 : i32
      %dma_wait3A_102 = tpu.memref_slice %arg8[%run_scoped3A_74, %dma_wait3A_101] : memref<2x80xi32, #tpu.memory_space<vmem>> -> memref<1x80xi32, #tpu.memory_space<vmem>>
      %dma_wait3A_103 = tpu.memref_squeeze %dma_wait3A_102 : memref<1x80xi32, #tpu.memory_space<vmem>> -> memref<80xi32, #tpu.memory_space<vmem>>
      %dma_wait3A_104 = arith.constant 0 : i32
      %dma_wait3A_105 = tpu.memref_slice %arg15[%dma_wait3A_104] : memref<10000xf32, #tpu.memory_space<vmem_shared>> -> memref<10000xf32, #tpu.memory_space<vmem_shared>>
      tpu.wait_indirect_dma semaphore(%run_scoped3A_95 : memref<!tpu.dma_semaphore, #tpu.memory_space<semaphore_mem>>) src(%arg12 : memref<80xf32, #tpu.memory_space<vmem>>) dst(%dma_wait3A_105 : memref<10000xf32, #tpu.memory_space<vmem_shared>>)
      tpu.yield
    }) : () -> ()
    %barrier3A_75 = arith.constant 0 : index
    tpu.barrier barrier_id(%barrier3A_75)
    %mul3A_76 = arith.constant 624 : i32
    %mul3A_77 = arith.muli %arg1, %mul3A_76 : i32
    %multiple_of3A_78 = tpu.assume_multiple %mul3A_77, 8 : i32
    %mul3A_79 = arith.constant 10000 : i32
    %mul3A_80 = arith.muli %arg0, %mul3A_79 : i32
    %mul3A_81 = arith.constant 624 : i32
    %mul3A_82 = arith.muli %arg1, %mul3A_81 : i32
    %add3A_83 = arith.addi %mul3A_80, %mul3A_82 : i32
    %multiple_of3A_84 = tpu.assume_multiple %add3A_83, 8 : i32
    "tpu.region"() ({
      %run_scoped3A_95 = tpu.sem_alloc : memref<!tpu.dma_semaphore, #tpu.memory_space<semaphore_mem>>
      %dma_start3A_96 = arith.constant 0 : i32
      %dma_start3A_97 = tpu.memref_slice %arg6[%multiple_of3A_84, %dma_start3A_96] : memref<20000x128xf32, #tpu.memory_space<hbm>> -> memref<624x128xf32, #tpu.memory_space<hbm>>
      %dma_start3A_98 = arith.constant 0 : i32
      %dma_start3A_99 = tpu.memref_slice %arg14[%multiple_of3A_78, %dma_start3A_98] : memref<10000x128xf32, #tpu.memory_space<vmem_shared>> -> memref<624x128xf32, #tpu.memory_space<vmem_shared>>
      tpu.enqueue_dma source(%dma_start3A_99 : memref<624x128xf32, #tpu.memory_space<vmem_shared>>) target(%dma_start3A_97 : memref<624x128xf32, #tpu.memory_space<hbm>>) target_semaphore(%run_scoped3A_95 : memref<!tpu.dma_semaphore, #tpu.memory_space<semaphore_mem>>)
      %dma_wait3A_100 = arith.constant 0 : i32
      %dma_wait3A_101 = tpu.memref_slice %arg6[%multiple_of3A_84, %dma_wait3A_100] : memref<20000x128xf32, #tpu.memory_space<hbm>> -> memref<624x128xf32, #tpu.memory_space<hbm>>
      %dma_wait3A_102 = arith.constant 0 : i32
      %dma_wait3A_103 = tpu.memref_slice %arg14[%multiple_of3A_78, %dma_wait3A_102] : memref<10000x128xf32, #tpu.memory_space<vmem_shared>> -> memref<624x128xf32, #tpu.memory_space<vmem_shared>>
      tpu.wait_dma2 semaphore(%run_scoped3A_95 : memref<!tpu.dma_semaphore, #tpu.memory_space<semaphore_mem>>) src(%dma_wait3A_103 : memref<624x128xf32, #tpu.memory_space<vmem_shared>>) dst(%dma_wait3A_101 : memref<624x128xf32, #tpu.memory_space<hbm>>)
      tpu.yield
    }) : () -> ()
    %eq3A_85 = arith.constant 0 : i32
    %eq3A_86 = arith.cmpi eq, %arg1, %eq3A_85 : i32
    %convert_element_type3A_87 = arith.extui %eq3A_86 : i1 to i32
    %cond3A_88 = arith.constant 0 : i32
    %cond3A_89 = arith.cmpi ne, %convert_element_type3A_87, %cond3A_88 : i32
    scf.if %cond3A_89 {
      %mul3A_95 = arith.constant 10000 : i32
      %mul3A_96 = arith.muli %arg0, %mul3A_95 : i32
      %add3A_97 = arith.constant 9984 : i32
      %add3A_98 = arith.addi %mul3A_96, %add3A_97 : i32
      %multiple_of3A_99 = tpu.assume_multiple %add3A_98, 8 : i32
      "tpu.region"() ({
        %run_scoped3A_100 = tpu.sem_alloc : memref<!tpu.dma_semaphore, #tpu.memory_space<semaphore_mem>>
        %dma_start3A_101 = arith.constant 0 : i32
        %dma_start3A_102 = tpu.memref_slice %arg6[%multiple_of3A_99, %dma_start3A_101] : memref<20000x128xf32, #tpu.memory_space<hbm>> -> memref<16x128xf32, #tpu.memory_space<hbm>>
        %dma_start3A_103 = arith.constant 9984 : i32
        %dma_start3A_104 = arith.constant 0 : i32
        %dma_start3A_105 = tpu.memref_slice %arg14[%dma_start3A_103, %dma_start3A_104] : memref<10000x128xf32, #tpu.memory_space<vmem_shared>> -> memref<16x128xf32, #tpu.memory_space<vmem_shared>>
        tpu.enqueue_dma source(%dma_start3A_105 : memref<16x128xf32, #tpu.memory_space<vmem_shared>>) target(%dma_start3A_102 : memref<16x128xf32, #tpu.memory_space<hbm>>) target_semaphore(%run_scoped3A_100 : memref<!tpu.dma_semaphore, #tpu.memory_space<semaphore_mem>>)
        %dma_wait3A_106 = arith.constant 0 : i32
        %dma_wait3A_107 = tpu.memref_slice %arg6[%multiple_of3A_99, %dma_wait3A_106] : memref<20000x128xf32, #tpu.memory_space<hbm>> -> memref<16x128xf32, #tpu.memory_space<hbm>>
        %dma_wait3A_108 = arith.constant 9984 : i32
        %dma_wait3A_109 = arith.constant 0 : i32
        %dma_wait3A_110 = tpu.memref_slice %arg14[%dma_wait3A_108, %dma_wait3A_109] : memref<10000x128xf32, #tpu.memory_space<vmem_shared>> -> memref<16x128xf32, #tpu.memory_space<vmem_shared>>
        tpu.wait_dma2 semaphore(%run_scoped3A_100 : memref<!tpu.dma_semaphore, #tpu.memory_space<semaphore_mem>>) src(%dma_wait3A_110 : memref<16x128xf32, #tpu.memory_space<vmem_shared>>) dst(%dma_wait3A_107 : memref<16x128xf32, #tpu.memory_space<hbm>>)
        tpu.yield
      }) : () -> ()
    } else {
    }
    %lt3A_90 = arith.constant 10 : i32
    %lt3A_91 = arith.cmpi slt, %arg1, %lt3A_90 : i32
    %convert_element_type3A_92 = arith.extui %lt3A_91 : i1 to i32
    %cond3A_93 = arith.constant 0 : i32
    %cond3A_94 = arith.cmpi ne, %convert_element_type3A_92, %cond3A_93 : i32
    scf.if %cond3A_94 {
      %mul3A_95 = arith.constant 1000 : i32
      %mul3A_96 = arith.muli %arg1, %mul3A_95 : i32
      %multiple_of3A_97 = tpu.assume_multiple %mul3A_96, 8 : i32
      %mul3A_98 = arith.constant 10000 : i32
      %mul3A_99 = arith.muli %arg0, %mul3A_98 : i32
      %mul3A_100 = arith.constant 1000 : i32
      %mul3A_101 = arith.muli %arg1, %mul3A_100 : i32
      %add3A_102 = arith.addi %mul3A_99, %mul3A_101 : i32
      %multiple_of3A_103 = tpu.assume_multiple %add3A_102, 8 : i32
      "tpu.region"() ({
        %run_scoped3A_104 = tpu.sem_alloc : memref<!tpu.dma_semaphore, #tpu.memory_space<semaphore_mem>>
        %dma_start3A_105 = tpu.memref_slice %arg15[%multiple_of3A_97] : memref<10000xf32, #tpu.memory_space<vmem_shared>> -> memref<1000xf32, #tpu.memory_space<vmem_shared>>
        %dma_start3A_106 = tpu.memref_slice %arg15[%multiple_of3A_97] : memref<10000xf32, #tpu.memory_space<vmem_shared>> -> memref<1000xf32, #tpu.memory_space<vmem_shared>>
        tpu.enqueue_dma source(%dma_start3A_106 : memref<1000xf32, #tpu.memory_space<vmem_shared>>) target(%arg13 : memref<1000xf32, #tpu.memory_space<vmem>>) target_semaphore(%run_scoped3A_104 : memref<!tpu.dma_semaphore, #tpu.memory_space<semaphore_mem>>)
        %dma_wait3A_107 = tpu.memref_slice %arg15[%multiple_of3A_97] : memref<10000xf32, #tpu.memory_space<vmem_shared>> -> memref<1000xf32, #tpu.memory_space<vmem_shared>>
        %dma_wait3A_108 = tpu.memref_slice %arg15[%multiple_of3A_97] : memref<10000xf32, #tpu.memory_space<vmem_shared>> -> memref<1000xf32, #tpu.memory_space<vmem_shared>>
        tpu.wait_dma2 semaphore(%run_scoped3A_104 : memref<!tpu.dma_semaphore, #tpu.memory_space<semaphore_mem>>) src(%dma_wait3A_108 : memref<1000xf32, #tpu.memory_space<vmem_shared>>) dst(%arg13 : memref<1000xf32, #tpu.memory_space<vmem>>)
        tpu.yield
      }) : () -> ()
      "tpu.region"() ({
        %run_scoped3A_104 = tpu.sem_alloc : memref<!tpu.dma_semaphore, #tpu.memory_space<semaphore_mem>>
        %dma_start3A_105 = tpu.memref_slice %arg7[%multiple_of3A_103] : memref<20000xf32, #tpu.memory_space<hbm>> -> memref<1000xf32, #tpu.memory_space<hbm>>
        %dma_start3A_106 = tpu.memref_slice %arg7[%multiple_of3A_103] : memref<20000xf32, #tpu.memory_space<hbm>> -> memref<1000xf32, #tpu.memory_space<hbm>>
        tpu.enqueue_dma source(%arg13 : memref<1000xf32, #tpu.memory_space<vmem>>) target(%dma_start3A_106 : memref<1000xf32, #tpu.memory_space<hbm>>) target_semaphore(%run_scoped3A_104 : memref<!tpu.dma_semaphore, #tpu.memory_space<semaphore_mem>>)
        %dma_wait3A_107 = tpu.memref_slice %arg7[%multiple_of3A_103] : memref<20000xf32, #tpu.memory_space<hbm>> -> memref<1000xf32, #tpu.memory_space<hbm>>
        %dma_wait3A_108 = tpu.memref_slice %arg7[%multiple_of3A_103] : memref<20000xf32, #tpu.memory_space<hbm>> -> memref<1000xf32, #tpu.memory_space<hbm>>
        tpu.wait_dma2 semaphore(%run_scoped3A_104 : memref<!tpu.dma_semaphore, #tpu.memory_space<semaphore_mem>>) src(%arg13 : memref<1000xf32, #tpu.memory_space<vmem>>) dst(%dma_wait3A_108 : memref<1000xf32, #tpu.memory_space<hbm>>)
        tpu.yield
      }) : () -> ()
    } else {
    }
    return
  }
}

#map = affine_map<(d0, d1) -> (0, 0)>
#map1 = affine_map<(d0, d1) -> (0, 0, 0)>
module attributes {stable_mosaic.version = 14 : i64} {
  func.func @body(%arg0: i32, %arg1: i32, %arg2: memref<10000x128xf32, #tpu.memory_space<hbm>>, %arg3: memref<4000x2x80xi32, #tpu.memory_space<hbm>>, %arg4: memref<10000x128xf32, #tpu.memory_space<hbm>>, %arg5: memref<20000x128xf32, #tpu.memory_space<hbm>>, %arg6: memref<2x80xi32, #tpu.memory_space<vmem>>, %arg7: memref<2x80xi32, #tpu.memory_space<vmem>>, %arg8: memref<80x128xf32, #tpu.memory_space<vmem>>, %arg9: memref<80x128xf32, #tpu.memory_space<vmem>>, %arg10: memref<10000x128xf32, #tpu.memory_space<vmem_shared>>, %arg11: memref<!tpu.dma_semaphore, #tpu.memory_space<semaphore_mem>>, %arg12: memref<!tpu.dma_semaphore, #tpu.memory_space<semaphore_mem>>, %arg13: memref<!tpu.dma_semaphore, #tpu.memory_space<semaphore_mem>>, %arg14: memref<!tpu.dma_semaphore, #tpu.memory_space<semaphore_mem>>) attributes {dimension_semantics = [#tpu.dimension_semantics<core_parallel>, #tpu.dimension_semantics<subcore_parallel>], iteration_bounds = array<i64: 2, 16>, scalar_prefetch = 0 : i64, scratch_operands = 9 : i64, tpu.core_type = #tpu.core_type<sc_vector_subcore>, window_params = [{transform_indices = #map}, {transform_indices = #map1}, {transform_indices = #map}, {transform_indices = #map}]} {
    %mul3A = arith.constant 16 : i32
    %mul3A_0 = arith.muli %arg0, %mul3A : i32
    %add3A = arith.addi %mul3A_0, %arg1 : i32
    %mul3A_1 = arith.constant 125 : i32
    %mul3A_2 = arith.muli %add3A, %mul3A_1 : i32
    %dma_start3A = arith.constant 0 : i32
    %dma_start3A_3 = arith.constant 0 : i32
    %dma_start3A_4 = tpu.memref_slice %arg3[%mul3A_2, %dma_start3A, %dma_start3A_3] : memref<4000x2x80xi32, #tpu.memory_space<hbm>> -> memref<1x2x80xi32, #tpu.memory_space<hbm>>
    %dma_start3A_5 = tpu.memref_squeeze %dma_start3A_4 : memref<1x2x80xi32, #tpu.memory_space<hbm>> -> memref<2x80xi32, #tpu.memory_space<hbm>>
    %dma_start3A_6 = arith.constant 0 : i32
    %dma_start3A_7 = arith.constant 0 : i32
    %dma_start3A_8 = tpu.memref_slice %arg3[%mul3A_2, %dma_start3A_6, %dma_start3A_7] : memref<4000x2x80xi32, #tpu.memory_space<hbm>> -> memref<1x2x80xi32, #tpu.memory_space<hbm>>
    %dma_start3A_9 = tpu.memref_squeeze %dma_start3A_8 : memref<1x2x80xi32, #tpu.memory_space<hbm>> -> memref<2x80xi32, #tpu.memory_space<hbm>>
    tpu.enqueue_dma source(%dma_start3A_9 : memref<2x80xi32, #tpu.memory_space<hbm>>) target(%arg6 : memref<2x80xi32, #tpu.memory_space<vmem>>) target_semaphore(%arg11 : memref<!tpu.dma_semaphore, #tpu.memory_space<semaphore_mem>>)
    %add3A_10 = arith.constant 1 : i32
    %add3A_11 = arith.addi %mul3A_2, %add3A_10 : i32
    %dma_start3A_12 = arith.constant 0 : i32
    %dma_start3A_13 = arith.constant 0 : i32
    %dma_start3A_14 = tpu.memref_slice %arg3[%add3A_11, %dma_start3A_12, %dma_start3A_13] : memref<4000x2x80xi32, #tpu.memory_space<hbm>> -> memref<1x2x80xi32, #tpu.memory_space<hbm>>
    %dma_start3A_15 = tpu.memref_squeeze %dma_start3A_14 : memref<1x2x80xi32, #tpu.memory_space<hbm>> -> memref<2x80xi32, #tpu.memory_space<hbm>>
    %dma_start3A_16 = arith.constant 0 : i32
    %dma_start3A_17 = arith.constant 0 : i32
    %dma_start3A_18 = tpu.memref_slice %arg3[%add3A_11, %dma_start3A_16, %dma_start3A_17] : memref<4000x2x80xi32, #tpu.memory_space<hbm>> -> memref<1x2x80xi32, #tpu.memory_space<hbm>>
    %dma_start3A_19 = tpu.memref_squeeze %dma_start3A_18 : memref<1x2x80xi32, #tpu.memory_space<hbm>> -> memref<2x80xi32, #tpu.memory_space<hbm>>
    tpu.enqueue_dma source(%dma_start3A_19 : memref<2x80xi32, #tpu.memory_space<hbm>>) target(%arg7 : memref<2x80xi32, #tpu.memory_space<vmem>>) target_semaphore(%arg12 : memref<!tpu.dma_semaphore, #tpu.memory_space<semaphore_mem>>)
    %mul3A_20 = arith.constant 624 : i32
    %mul3A_21 = arith.muli %arg1, %mul3A_20 : i32
    %multiple_of3A = tpu.assume_multiple %mul3A_21, 8 : i32
    "tpu.region"() ({
      %run_scoped3A_65 = tpu.sem_alloc : memref<!tpu.dma_semaphore, #tpu.memory_space<semaphore_mem>>
      %dma_start3A_66 = arith.constant 0 : i32
      %dma_start3A_67 = tpu.memref_slice %arg10[%multiple_of3A, %dma_start3A_66] : memref<10000x128xf32, #tpu.memory_space<vmem_shared>> -> memref<624x128xf32, #tpu.memory_space<vmem_shared>>
      %dma_start3A_68 = arith.constant 0 : i32
      %dma_start3A_69 = tpu.memref_slice %arg4[%multiple_of3A, %dma_start3A_68] : memref<10000x128xf32, #tpu.memory_space<hbm>> -> memref<624x128xf32, #tpu.memory_space<hbm>>
      tpu.enqueue_dma source(%dma_start3A_69 : memref<624x128xf32, #tpu.memory_space<hbm>>) target(%dma_start3A_67 : memref<624x128xf32, #tpu.memory_space<vmem_shared>>) target_semaphore(%run_scoped3A_65 : memref<!tpu.dma_semaphore, #tpu.memory_space<semaphore_mem>>)
      %dma_wait3A_70 = arith.constant 0 : i32
      %dma_wait3A_71 = tpu.memref_slice %arg10[%multiple_of3A, %dma_wait3A_70] : memref<10000x128xf32, #tpu.memory_space<vmem_shared>> -> memref<624x128xf32, #tpu.memory_space<vmem_shared>>
      %dma_wait3A_72 = arith.constant 0 : i32
      %dma_wait3A_73 = tpu.memref_slice %arg4[%multiple_of3A, %dma_wait3A_72] : memref<10000x128xf32, #tpu.memory_space<hbm>> -> memref<624x128xf32, #tpu.memory_space<hbm>>
      tpu.wait_dma2 semaphore(%run_scoped3A_65 : memref<!tpu.dma_semaphore, #tpu.memory_space<semaphore_mem>>) src(%dma_wait3A_73 : memref<624x128xf32, #tpu.memory_space<hbm>>) dst(%dma_wait3A_71 : memref<624x128xf32, #tpu.memory_space<vmem_shared>>)
      tpu.yield
    }) : () -> ()
    %eq3A = arith.constant 0 : i32
    %eq3A_22 = arith.cmpi eq, %arg1, %eq3A : i32
    %convert_element_type3A = arith.extui %eq3A_22 : i1 to i32
    %cond3A = arith.constant 0 : i32
    %cond3A_23 = arith.cmpi ne, %convert_element_type3A, %cond3A : i32
    scf.if %cond3A_23 {
      "tpu.region"() ({
        %run_scoped3A_65 = tpu.sem_alloc : memref<!tpu.dma_semaphore, #tpu.memory_space<semaphore_mem>>
        %dma_start3A_66 = arith.constant 9984 : i32
        %dma_start3A_67 = arith.constant 0 : i32
        %dma_start3A_68 = tpu.memref_slice %arg10[%dma_start3A_66, %dma_start3A_67] : memref<10000x128xf32, #tpu.memory_space<vmem_shared>> -> memref<16x128xf32, #tpu.memory_space<vmem_shared>>
        %dma_start3A_69 = arith.constant 9984 : i32
        %dma_start3A_70 = arith.constant 0 : i32
        %dma_start3A_71 = tpu.memref_slice %arg4[%dma_start3A_69, %dma_start3A_70] : memref<10000x128xf32, #tpu.memory_space<hbm>> -> memref<16x128xf32, #tpu.memory_space<hbm>>
        tpu.enqueue_dma source(%dma_start3A_71 : memref<16x128xf32, #tpu.memory_space<hbm>>) target(%dma_start3A_68 : memref<16x128xf32, #tpu.memory_space<vmem_shared>>) target_semaphore(%run_scoped3A_65 : memref<!tpu.dma_semaphore, #tpu.memory_space<semaphore_mem>>)
        %dma_wait3A_72 = arith.constant 9984 : i32
        %dma_wait3A_73 = arith.constant 0 : i32
        %dma_wait3A_74 = tpu.memref_slice %arg10[%dma_wait3A_72, %dma_wait3A_73] : memref<10000x128xf32, #tpu.memory_space<vmem_shared>> -> memref<16x128xf32, #tpu.memory_space<vmem_shared>>
        %dma_wait3A_75 = arith.constant 9984 : i32
        %dma_wait3A_76 = arith.constant 0 : i32
        %dma_wait3A_77 = tpu.memref_slice %arg4[%dma_wait3A_75, %dma_wait3A_76] : memref<10000x128xf32, #tpu.memory_space<hbm>> -> memref<16x128xf32, #tpu.memory_space<hbm>>
        tpu.wait_dma2 semaphore(%run_scoped3A_65 : memref<!tpu.dma_semaphore, #tpu.memory_space<semaphore_mem>>) src(%dma_wait3A_77 : memref<16x128xf32, #tpu.memory_space<hbm>>) dst(%dma_wait3A_74 : memref<16x128xf32, #tpu.memory_space<vmem_shared>>)
        tpu.yield
      }) : () -> ()
    } else {
    }
    %dma_wait3A = arith.constant 0 : i32
    %dma_wait3A_24 = arith.constant 0 : i32
    %dma_wait3A_25 = tpu.memref_slice %arg3[%mul3A_2, %dma_wait3A, %dma_wait3A_24] : memref<4000x2x80xi32, #tpu.memory_space<hbm>> -> memref<1x2x80xi32, #tpu.memory_space<hbm>>
    %dma_wait3A_26 = tpu.memref_squeeze %dma_wait3A_25 : memref<1x2x80xi32, #tpu.memory_space<hbm>> -> memref<2x80xi32, #tpu.memory_space<hbm>>
    %dma_wait3A_27 = arith.constant 0 : i32
    %dma_wait3A_28 = arith.constant 0 : i32
    %dma_wait3A_29 = tpu.memref_slice %arg3[%mul3A_2, %dma_wait3A_27, %dma_wait3A_28] : memref<4000x2x80xi32, #tpu.memory_space<hbm>> -> memref<1x2x80xi32, #tpu.memory_space<hbm>>
    %dma_wait3A_30 = tpu.memref_squeeze %dma_wait3A_29 : memref<1x2x80xi32, #tpu.memory_space<hbm>> -> memref<2x80xi32, #tpu.memory_space<hbm>>
    tpu.wait_dma2 semaphore(%arg11 : memref<!tpu.dma_semaphore, #tpu.memory_space<semaphore_mem>>) src(%dma_wait3A_30 : memref<2x80xi32, #tpu.memory_space<hbm>>) dst(%arg6 : memref<2x80xi32, #tpu.memory_space<vmem>>)
    %dma_start3A_31 = arith.constant 0 : i32
    %dma_start3A_32 = arith.constant 0 : i32
    %dma_start3A_33 = tpu.memref_slice %arg6[%dma_start3A_31, %dma_start3A_32] : memref<2x80xi32, #tpu.memory_space<vmem>> -> memref<1x80xi32, #tpu.memory_space<vmem>>
    %dma_start3A_34 = tpu.memref_squeeze %dma_start3A_33 : memref<1x80xi32, #tpu.memory_space<vmem>> -> memref<80xi32, #tpu.memory_space<vmem>>
    %dma_start3A_35 = arith.constant 0 : i32
    %dma_start3A_36 = arith.constant 0 : i32
    %dma_start3A_37 = tpu.memref_slice %arg2[%dma_start3A_35, %dma_start3A_36] : memref<10000x128xf32, #tpu.memory_space<hbm>> -> memref<10000x128xf32, #tpu.memory_space<hbm>>
    tpu.enqueue_indirect_dma source(%dma_start3A_37 : memref<10000x128xf32, #tpu.memory_space<hbm>>) target(%arg8 : memref<80x128xf32, #tpu.memory_space<vmem>>) offsets(%dma_start3A_34 : memref<80xi32, #tpu.memory_space<vmem>>) semaphore(%arg13 : memref<!tpu.dma_semaphore, #tpu.memory_space<semaphore_mem>>)
    %barrier3A = arith.constant 0 : index
    tpu.barrier barrier_id(%barrier3A)
    %scan3A = arith.constant 0 : i32
    %scan3A_38 = arith.constant 0 : i32
    %scan3A_39 = arith.constant 62 : i32
    %scan3A_40 = arith.addi %scan3A_38, %scan3A_39 : i32
    %scan3A_41 = arith.constant 1 : i32
    scf.for %scan3A_65 = %scan3A_38 to %scan3A_40 step %scan3A_41  : i32 {
      %mul3A_66 = arith.constant 2 : i32
      %mul3A_67 = arith.muli %mul3A_66, %scan3A_65 : i32
      %add3A_68 = arith.addi %mul3A_2, %mul3A_67 : i32
      %add3A_69 = arith.constant 1 : i32
      %add3A_70 = arith.addi %add3A_68, %add3A_69 : i32
      %dma_wait3A_71 = arith.constant 0 : i32
      %dma_wait3A_72 = arith.constant 0 : i32
      %dma_wait3A_73 = tpu.memref_slice %arg3[%add3A_70, %dma_wait3A_71, %dma_wait3A_72] : memref<4000x2x80xi32, #tpu.memory_space<hbm>> -> memref<1x2x80xi32, #tpu.memory_space<hbm>>
      %dma_wait3A_74 = tpu.memref_squeeze %dma_wait3A_73 : memref<1x2x80xi32, #tpu.memory_space<hbm>> -> memref<2x80xi32, #tpu.memory_space<hbm>>
      %dma_wait3A_75 = arith.constant 0 : i32
      %dma_wait3A_76 = arith.constant 0 : i32
      %dma_wait3A_77 = tpu.memref_slice %arg3[%add3A_70, %dma_wait3A_75, %dma_wait3A_76] : memref<4000x2x80xi32, #tpu.memory_space<hbm>> -> memref<1x2x80xi32, #tpu.memory_space<hbm>>
      %dma_wait3A_78 = tpu.memref_squeeze %dma_wait3A_77 : memref<1x2x80xi32, #tpu.memory_space<hbm>> -> memref<2x80xi32, #tpu.memory_space<hbm>>
      tpu.wait_dma2 semaphore(%arg12 : memref<!tpu.dma_semaphore, #tpu.memory_space<semaphore_mem>>) src(%dma_wait3A_78 : memref<2x80xi32, #tpu.memory_space<hbm>>) dst(%arg7 : memref<2x80xi32, #tpu.memory_space<vmem>>)
      %dma_start3A_79 = arith.constant 0 : i32
      %dma_start3A_80 = arith.constant 0 : i32
      %dma_start3A_81 = tpu.memref_slice %arg7[%dma_start3A_79, %dma_start3A_80] : memref<2x80xi32, #tpu.memory_space<vmem>> -> memref<1x80xi32, #tpu.memory_space<vmem>>
      %dma_start3A_82 = tpu.memref_squeeze %dma_start3A_81 : memref<1x80xi32, #tpu.memory_space<vmem>> -> memref<80xi32, #tpu.memory_space<vmem>>
      %dma_start3A_83 = arith.constant 0 : i32
      %dma_start3A_84 = arith.constant 0 : i32
      %dma_start3A_85 = tpu.memref_slice %arg2[%dma_start3A_83, %dma_start3A_84] : memref<10000x128xf32, #tpu.memory_space<hbm>> -> memref<10000x128xf32, #tpu.memory_space<hbm>>
      tpu.enqueue_indirect_dma source(%dma_start3A_85 : memref<10000x128xf32, #tpu.memory_space<hbm>>) target(%arg9 : memref<80x128xf32, #tpu.memory_space<vmem>>) offsets(%dma_start3A_82 : memref<80xi32, #tpu.memory_space<vmem>>) semaphore(%arg14 : memref<!tpu.dma_semaphore, #tpu.memory_space<semaphore_mem>>)
      %dma_wait3A_86 = arith.constant 0 : i32
      %dma_wait3A_87 = arith.constant 0 : i32
      %dma_wait3A_88 = tpu.memref_slice %arg6[%dma_wait3A_86, %dma_wait3A_87] : memref<2x80xi32, #tpu.memory_space<vmem>> -> memref<1x80xi32, #tpu.memory_space<vmem>>
      %dma_wait3A_89 = tpu.memref_squeeze %dma_wait3A_88 : memref<1x80xi32, #tpu.memory_space<vmem>> -> memref<80xi32, #tpu.memory_space<vmem>>
      %dma_wait3A_90 = arith.constant 0 : i32
      %dma_wait3A_91 = arith.constant 0 : i32
      %dma_wait3A_92 = tpu.memref_slice %arg2[%dma_wait3A_90, %dma_wait3A_91] : memref<10000x128xf32, #tpu.memory_space<hbm>> -> memref<10000x128xf32, #tpu.memory_space<hbm>>
      tpu.wait_indirect_dma semaphore(%arg13 : memref<!tpu.dma_semaphore, #tpu.memory_space<semaphore_mem>>) src(%dma_wait3A_92 : memref<10000x128xf32, #tpu.memory_space<hbm>>) dst(%arg8 : memref<80x128xf32, #tpu.memory_space<vmem>>)
      %run_scoped3A_93 = arith.constant 1 : i32
      "tpu.region"() ({
        %run_scoped3A_135 = tpu.sem_alloc : memref<!tpu.dma_semaphore, #tpu.memory_space<semaphore_mem>>
        %dma_start3A_136 = arith.constant 0 : i32
        %dma_start3A_137 = tpu.memref_slice %arg6[%run_scoped3A_93, %dma_start3A_136] : memref<2x80xi32, #tpu.memory_space<vmem>> -> memref<1x80xi32, #tpu.memory_space<vmem>>
        %dma_start3A_138 = tpu.memref_squeeze %dma_start3A_137 : memref<1x80xi32, #tpu.memory_space<vmem>> -> memref<80xi32, #tpu.memory_space<vmem>>
        %dma_start3A_139 = arith.constant 0 : i32
        %dma_start3A_140 = arith.constant 0 : i32
        %dma_start3A_141 = tpu.memref_slice %arg10[%dma_start3A_139, %dma_start3A_140] : memref<10000x128xf32, #tpu.memory_space<vmem_shared>> -> memref<10000x128xf32, #tpu.memory_space<vmem_shared>>
        tpu.enqueue_indirect_dma source(%arg8 : memref<80x128xf32, #tpu.memory_space<vmem>>) target(%dma_start3A_141 : memref<10000x128xf32, #tpu.memory_space<vmem_shared>>) offsets(%dma_start3A_138 : memref<80xi32, #tpu.memory_space<vmem>>) semaphore(%run_scoped3A_135 : memref<!tpu.dma_semaphore, #tpu.memory_space<semaphore_mem>>) {add = true}
        %dma_wait3A_142 = arith.constant 0 : i32
        %dma_wait3A_143 = tpu.memref_slice %arg6[%run_scoped3A_93, %dma_wait3A_142] : memref<2x80xi32, #tpu.memory_space<vmem>> -> memref<1x80xi32, #tpu.memory_space<vmem>>
        %dma_wait3A_144 = tpu.memref_squeeze %dma_wait3A_143 : memref<1x80xi32, #tpu.memory_space<vmem>> -> memref<80xi32, #tpu.memory_space<vmem>>
        %dma_wait3A_145 = arith.constant 0 : i32
        %dma_wait3A_146 = arith.constant 0 : i32
        %dma_wait3A_147 = tpu.memref_slice %arg10[%dma_wait3A_145, %dma_wait3A_146] : memref<10000x128xf32, #tpu.memory_space<vmem_shared>> -> memref<10000x128xf32, #tpu.memory_space<vmem_shared>>
        tpu.wait_indirect_dma semaphore(%run_scoped3A_135 : memref<!tpu.dma_semaphore, #tpu.memory_space<semaphore_mem>>) src(%arg8 : memref<80x128xf32, #tpu.memory_space<vmem>>) dst(%dma_wait3A_147 : memref<10000x128xf32, #tpu.memory_space<vmem_shared>>)
        tpu.yield
      }) : () -> ()
      %add3A_94 = arith.addi %mul3A_2, %mul3A_67 : i32
      %add3A_95 = arith.constant 2 : i32
      %add3A_96 = arith.addi %add3A_94, %add3A_95 : i32
      %dma_start3A_97 = arith.constant 0 : i32
      %dma_start3A_98 = arith.constant 0 : i32
      %dma_start3A_99 = tpu.memref_slice %arg3[%add3A_96, %dma_start3A_97, %dma_start3A_98] : memref<4000x2x80xi32, #tpu.memory_space<hbm>> -> memref<1x2x80xi32, #tpu.memory_space<hbm>>
      %dma_start3A_100 = tpu.memref_squeeze %dma_start3A_99 : memref<1x2x80xi32, #tpu.memory_space<hbm>> -> memref<2x80xi32, #tpu.memory_space<hbm>>
      %dma_start3A_101 = arith.constant 0 : i32
      %dma_start3A_102 = arith.constant 0 : i32
      %dma_start3A_103 = tpu.memref_slice %arg3[%add3A_96, %dma_start3A_101, %dma_start3A_102] : memref<4000x2x80xi32, #tpu.memory_space<hbm>> -> memref<1x2x80xi32, #tpu.memory_space<hbm>>
      %dma_start3A_104 = tpu.memref_squeeze %dma_start3A_103 : memref<1x2x80xi32, #tpu.memory_space<hbm>> -> memref<2x80xi32, #tpu.memory_space<hbm>>
      tpu.enqueue_dma source(%dma_start3A_104 : memref<2x80xi32, #tpu.memory_space<hbm>>) target(%arg6 : memref<2x80xi32, #tpu.memory_space<vmem>>) target_semaphore(%arg11 : memref<!tpu.dma_semaphore, #tpu.memory_space<semaphore_mem>>)
      %add3A_105 = arith.addi %mul3A_2, %mul3A_67 : i32
      %add3A_106 = arith.constant 2 : i32
      %add3A_107 = arith.addi %add3A_105, %add3A_106 : i32
      %dma_wait3A_108 = arith.constant 0 : i32
      %dma_wait3A_109 = arith.constant 0 : i32
      %dma_wait3A_110 = tpu.memref_slice %arg3[%add3A_107, %dma_wait3A_108, %dma_wait3A_109] : memref<4000x2x80xi32, #tpu.memory_space<hbm>> -> memref<1x2x80xi32, #tpu.memory_space<hbm>>
      %dma_wait3A_111 = tpu.memref_squeeze %dma_wait3A_110 : memref<1x2x80xi32, #tpu.memory_space<hbm>> -> memref<2x80xi32, #tpu.memory_space<hbm>>
      %dma_wait3A_112 = arith.constant 0 : i32
      %dma_wait3A_113 = arith.constant 0 : i32
      %dma_wait3A_114 = tpu.memref_slice %arg3[%add3A_107, %dma_wait3A_112, %dma_wait3A_113] : memref<4000x2x80xi32, #tpu.memory_space<hbm>> -> memref<1x2x80xi32, #tpu.memory_space<hbm>>
      %dma_wait3A_115 = tpu.memref_squeeze %dma_wait3A_114 : memref<1x2x80xi32, #tpu.memory_space<hbm>> -> memref<2x80xi32, #tpu.memory_space<hbm>>
      tpu.wait_dma2 semaphore(%arg11 : memref<!tpu.dma_semaphore, #tpu.memory_space<semaphore_mem>>) src(%dma_wait3A_115 : memref<2x80xi32, #tpu.memory_space<hbm>>) dst(%arg6 : memref<2x80xi32, #tpu.memory_space<vmem>>)
      %dma_start3A_116 = arith.constant 0 : i32
      %dma_start3A_117 = arith.constant 0 : i32
      %dma_start3A_118 = tpu.memref_slice %arg6[%dma_start3A_116, %dma_start3A_117] : memref<2x80xi32, #tpu.memory_space<vmem>> -> memref<1x80xi32, #tpu.memory_space<vmem>>
      %dma_start3A_119 = tpu.memref_squeeze %dma_start3A_118 : memref<1x80xi32, #tpu.memory_space<vmem>> -> memref<80xi32, #tpu.memory_space<vmem>>
      %dma_start3A_120 = arith.constant 0 : i32
      %dma_start3A_121 = arith.constant 0 : i32
      %dma_start3A_122 = tpu.memref_slice %arg2[%dma_start3A_120, %dma_start3A_121] : memref<10000x128xf32, #tpu.memory_space<hbm>> -> memref<10000x128xf32, #tpu.memory_space<hbm>>
      tpu.enqueue_indirect_dma source(%dma_start3A_122 : memref<10000x128xf32, #tpu.memory_space<hbm>>) target(%arg8 : memref<80x128xf32, #tpu.memory_space<vmem>>) offsets(%dma_start3A_119 : memref<80xi32, #tpu.memory_space<vmem>>) semaphore(%arg13 : memref<!tpu.dma_semaphore, #tpu.memory_space<semaphore_mem>>)
      %dma_wait3A_123 = arith.constant 0 : i32
      %dma_wait3A_124 = arith.constant 0 : i32
      %dma_wait3A_125 = tpu.memref_slice %arg7[%dma_wait3A_123, %dma_wait3A_124] : memref<2x80xi32, #tpu.memory_space<vmem>> -> memref<1x80xi32, #tpu.memory_space<vmem>>
      %dma_wait3A_126 = tpu.memref_squeeze %dma_wait3A_125 : memref<1x80xi32, #tpu.memory_space<vmem>> -> memref<80xi32, #tpu.memory_space<vmem>>
      %dma_wait3A_127 = arith.constant 0 : i32
      %dma_wait3A_128 = arith.constant 0 : i32
      %dma_wait3A_129 = tpu.memref_slice %arg2[%dma_wait3A_127, %dma_wait3A_128] : memref<10000x128xf32, #tpu.memory_space<hbm>> -> memref<10000x128xf32, #tpu.memory_space<hbm>>
      tpu.wait_indirect_dma semaphore(%arg14 : memref<!tpu.dma_semaphore, #tpu.memory_space<semaphore_mem>>) src(%dma_wait3A_129 : memref<10000x128xf32, #tpu.memory_space<hbm>>) dst(%arg9 : memref<80x128xf32, #tpu.memory_space<vmem>>)
      %run_scoped3A_130 = arith.constant 1 : i32
      "tpu.region"() ({
        %run_scoped3A_135 = tpu.sem_alloc : memref<!tpu.dma_semaphore, #tpu.memory_space<semaphore_mem>>
        %dma_start3A_136 = arith.constant 0 : i32
        %dma_start3A_137 = tpu.memref_slice %arg7[%run_scoped3A_130, %dma_start3A_136] : memref<2x80xi32, #tpu.memory_space<vmem>> -> memref<1x80xi32, #tpu.memory_space<vmem>>
        %dma_start3A_138 = tpu.memref_squeeze %dma_start3A_137 : memref<1x80xi32, #tpu.memory_space<vmem>> -> memref<80xi32, #tpu.memory_space<vmem>>
        %dma_start3A_139 = arith.constant 0 : i32
        %dma_start3A_140 = arith.constant 0 : i32
        %dma_start3A_141 = tpu.memref_slice %arg10[%dma_start3A_139, %dma_start3A_140] : memref<10000x128xf32, #tpu.memory_space<vmem_shared>> -> memref<10000x128xf32, #tpu.memory_space<vmem_shared>>
        tpu.enqueue_indirect_dma source(%arg9 : memref<80x128xf32, #tpu.memory_space<vmem>>) target(%dma_start3A_141 : memref<10000x128xf32, #tpu.memory_space<vmem_shared>>) offsets(%dma_start3A_138 : memref<80xi32, #tpu.memory_space<vmem>>) semaphore(%run_scoped3A_135 : memref<!tpu.dma_semaphore, #tpu.memory_space<semaphore_mem>>) {add = true}
        %dma_wait3A_142 = arith.constant 0 : i32
        %dma_wait3A_143 = tpu.memref_slice %arg7[%run_scoped3A_130, %dma_wait3A_142] : memref<2x80xi32, #tpu.memory_space<vmem>> -> memref<1x80xi32, #tpu.memory_space<vmem>>
        %dma_wait3A_144 = tpu.memref_squeeze %dma_wait3A_143 : memref<1x80xi32, #tpu.memory_space<vmem>> -> memref<80xi32, #tpu.memory_space<vmem>>
        %dma_wait3A_145 = arith.constant 0 : i32
        %dma_wait3A_146 = arith.constant 0 : i32
        %dma_wait3A_147 = tpu.memref_slice %arg10[%dma_wait3A_145, %dma_wait3A_146] : memref<10000x128xf32, #tpu.memory_space<vmem_shared>> -> memref<10000x128xf32, #tpu.memory_space<vmem_shared>>
        tpu.wait_indirect_dma semaphore(%run_scoped3A_135 : memref<!tpu.dma_semaphore, #tpu.memory_space<semaphore_mem>>) src(%arg9 : memref<80x128xf32, #tpu.memory_space<vmem>>) dst(%dma_wait3A_147 : memref<10000x128xf32, #tpu.memory_space<vmem_shared>>)
        tpu.yield
      }) : () -> ()
      %lt3A = arith.constant 61 : i32
      %lt3A_131 = arith.cmpi slt, %scan3A_65, %lt3A : i32
      %convert_element_type3A_132 = arith.extui %lt3A_131 : i1 to i32
      %cond3A_133 = arith.constant 0 : i32
      %cond3A_134 = arith.cmpi ne, %convert_element_type3A_132, %cond3A_133 : i32
      scf.if %cond3A_134 {
        %add3A_135 = arith.addi %mul3A_2, %mul3A_67 : i32
        %add3A_136 = arith.constant 3 : i32
        %add3A_137 = arith.addi %add3A_135, %add3A_136 : i32
        %dma_start3A_138 = arith.constant 0 : i32
        %dma_start3A_139 = arith.constant 0 : i32
        %dma_start3A_140 = tpu.memref_slice %arg3[%add3A_137, %dma_start3A_138, %dma_start3A_139] : memref<4000x2x80xi32, #tpu.memory_space<hbm>> -> memref<1x2x80xi32, #tpu.memory_space<hbm>>
        %dma_start3A_141 = tpu.memref_squeeze %dma_start3A_140 : memref<1x2x80xi32, #tpu.memory_space<hbm>> -> memref<2x80xi32, #tpu.memory_space<hbm>>
        %dma_start3A_142 = arith.constant 0 : i32
        %dma_start3A_143 = arith.constant 0 : i32
        %dma_start3A_144 = tpu.memref_slice %arg3[%add3A_137, %dma_start3A_142, %dma_start3A_143] : memref<4000x2x80xi32, #tpu.memory_space<hbm>> -> memref<1x2x80xi32, #tpu.memory_space<hbm>>
        %dma_start3A_145 = tpu.memref_squeeze %dma_start3A_144 : memref<1x2x80xi32, #tpu.memory_space<hbm>> -> memref<2x80xi32, #tpu.memory_space<hbm>>
        tpu.enqueue_dma source(%dma_start3A_145 : memref<2x80xi32, #tpu.memory_space<hbm>>) target(%arg7 : memref<2x80xi32, #tpu.memory_space<vmem>>) target_semaphore(%arg12 : memref<!tpu.dma_semaphore, #tpu.memory_space<semaphore_mem>>)
      } else {
      }
    }
    %scan3A_42 = arith.constant 62 : i32
    %dma_wait3A_43 = arith.constant 0 : i32
    %dma_wait3A_44 = arith.constant 0 : i32
    %dma_wait3A_45 = tpu.memref_slice %arg6[%dma_wait3A_43, %dma_wait3A_44] : memref<2x80xi32, #tpu.memory_space<vmem>> -> memref<1x80xi32, #tpu.memory_space<vmem>>
    %dma_wait3A_46 = tpu.memref_squeeze %dma_wait3A_45 : memref<1x80xi32, #tpu.memory_space<vmem>> -> memref<80xi32, #tpu.memory_space<vmem>>
    %dma_wait3A_47 = arith.constant 0 : i32
    %dma_wait3A_48 = arith.constant 0 : i32
    %dma_wait3A_49 = tpu.memref_slice %arg2[%dma_wait3A_47, %dma_wait3A_48] : memref<10000x128xf32, #tpu.memory_space<hbm>> -> memref<10000x128xf32, #tpu.memory_space<hbm>>
    tpu.wait_indirect_dma semaphore(%arg13 : memref<!tpu.dma_semaphore, #tpu.memory_space<semaphore_mem>>) src(%dma_wait3A_49 : memref<10000x128xf32, #tpu.memory_space<hbm>>) dst(%arg8 : memref<80x128xf32, #tpu.memory_space<vmem>>)
    %run_scoped3A = arith.constant 1 : i32
    "tpu.region"() ({
      %run_scoped3A_65 = tpu.sem_alloc : memref<!tpu.dma_semaphore, #tpu.memory_space<semaphore_mem>>
      %dma_start3A_66 = arith.constant 0 : i32
      %dma_start3A_67 = tpu.memref_slice %arg6[%run_scoped3A, %dma_start3A_66] : memref<2x80xi32, #tpu.memory_space<vmem>> -> memref<1x80xi32, #tpu.memory_space<vmem>>
      %dma_start3A_68 = tpu.memref_squeeze %dma_start3A_67 : memref<1x80xi32, #tpu.memory_space<vmem>> -> memref<80xi32, #tpu.memory_space<vmem>>
      %dma_start3A_69 = arith.constant 0 : i32
      %dma_start3A_70 = arith.constant 0 : i32
      %dma_start3A_71 = tpu.memref_slice %arg10[%dma_start3A_69, %dma_start3A_70] : memref<10000x128xf32, #tpu.memory_space<vmem_shared>> -> memref<10000x128xf32, #tpu.memory_space<vmem_shared>>
      tpu.enqueue_indirect_dma source(%arg8 : memref<80x128xf32, #tpu.memory_space<vmem>>) target(%dma_start3A_71 : memref<10000x128xf32, #tpu.memory_space<vmem_shared>>) offsets(%dma_start3A_68 : memref<80xi32, #tpu.memory_space<vmem>>) semaphore(%run_scoped3A_65 : memref<!tpu.dma_semaphore, #tpu.memory_space<semaphore_mem>>) {add = true}
      %dma_wait3A_72 = arith.constant 0 : i32
      %dma_wait3A_73 = tpu.memref_slice %arg6[%run_scoped3A, %dma_wait3A_72] : memref<2x80xi32, #tpu.memory_space<vmem>> -> memref<1x80xi32, #tpu.memory_space<vmem>>
      %dma_wait3A_74 = tpu.memref_squeeze %dma_wait3A_73 : memref<1x80xi32, #tpu.memory_space<vmem>> -> memref<80xi32, #tpu.memory_space<vmem>>
      %dma_wait3A_75 = arith.constant 0 : i32
      %dma_wait3A_76 = arith.constant 0 : i32
      %dma_wait3A_77 = tpu.memref_slice %arg10[%dma_wait3A_75, %dma_wait3A_76] : memref<10000x128xf32, #tpu.memory_space<vmem_shared>> -> memref<10000x128xf32, #tpu.memory_space<vmem_shared>>
      tpu.wait_indirect_dma semaphore(%run_scoped3A_65 : memref<!tpu.dma_semaphore, #tpu.memory_space<semaphore_mem>>) src(%arg8 : memref<80x128xf32, #tpu.memory_space<vmem>>) dst(%dma_wait3A_77 : memref<10000x128xf32, #tpu.memory_space<vmem_shared>>)
      tpu.yield
    }) : () -> ()
    %barrier3A_50 = arith.constant 0 : index
    tpu.barrier barrier_id(%barrier3A_50)
    %mul3A_51 = arith.constant 624 : i32
    %mul3A_52 = arith.muli %arg1, %mul3A_51 : i32
    %multiple_of3A_53 = tpu.assume_multiple %mul3A_52, 8 : i32
    %mul3A_54 = arith.constant 10000 : i32
    %mul3A_55 = arith.muli %arg0, %mul3A_54 : i32
    %mul3A_56 = arith.constant 624 : i32
    %mul3A_57 = arith.muli %arg1, %mul3A_56 : i32
    %add3A_58 = arith.addi %mul3A_55, %mul3A_57 : i32
    %multiple_of3A_59 = tpu.assume_multiple %add3A_58, 8 : i32
    "tpu.region"() ({
      %run_scoped3A_65 = tpu.sem_alloc : memref<!tpu.dma_semaphore, #tpu.memory_space<semaphore_mem>>
      %dma_start3A_66 = arith.constant 0 : i32
      %dma_start3A_67 = tpu.memref_slice %arg5[%multiple_of3A_59, %dma_start3A_66] : memref<20000x128xf32, #tpu.memory_space<hbm>> -> memref<624x128xf32, #tpu.memory_space<hbm>>
      %dma_start3A_68 = arith.constant 0 : i32
      %dma_start3A_69 = tpu.memref_slice %arg10[%multiple_of3A_53, %dma_start3A_68] : memref<10000x128xf32, #tpu.memory_space<vmem_shared>> -> memref<624x128xf32, #tpu.memory_space<vmem_shared>>
      tpu.enqueue_dma source(%dma_start3A_69 : memref<624x128xf32, #tpu.memory_space<vmem_shared>>) target(%dma_start3A_67 : memref<624x128xf32, #tpu.memory_space<hbm>>) target_semaphore(%run_scoped3A_65 : memref<!tpu.dma_semaphore, #tpu.memory_space<semaphore_mem>>)
      %dma_wait3A_70 = arith.constant 0 : i32
      %dma_wait3A_71 = tpu.memref_slice %arg5[%multiple_of3A_59, %dma_wait3A_70] : memref<20000x128xf32, #tpu.memory_space<hbm>> -> memref<624x128xf32, #tpu.memory_space<hbm>>
      %dma_wait3A_72 = arith.constant 0 : i32
      %dma_wait3A_73 = tpu.memref_slice %arg10[%multiple_of3A_53, %dma_wait3A_72] : memref<10000x128xf32, #tpu.memory_space<vmem_shared>> -> memref<624x128xf32, #tpu.memory_space<vmem_shared>>
      tpu.wait_dma2 semaphore(%run_scoped3A_65 : memref<!tpu.dma_semaphore, #tpu.memory_space<semaphore_mem>>) src(%dma_wait3A_73 : memref<624x128xf32, #tpu.memory_space<vmem_shared>>) dst(%dma_wait3A_71 : memref<624x128xf32, #tpu.memory_space<hbm>>)
      tpu.yield
    }) : () -> ()
    %eq3A_60 = arith.constant 0 : i32
    %eq3A_61 = arith.cmpi eq, %arg1, %eq3A_60 : i32
    %convert_element_type3A_62 = arith.extui %eq3A_61 : i1 to i32
    %cond3A_63 = arith.constant 0 : i32
    %cond3A_64 = arith.cmpi ne, %convert_element_type3A_62, %cond3A_63 : i32
    scf.if %cond3A_64 {
      %mul3A_65 = arith.constant 10000 : i32
      %mul3A_66 = arith.muli %arg0, %mul3A_65 : i32
      %add3A_67 = arith.constant 9984 : i32
      %add3A_68 = arith.addi %mul3A_66, %add3A_67 : i32
      %multiple_of3A_69 = tpu.assume_multiple %add3A_68, 8 : i32
      "tpu.region"() ({
        %run_scoped3A_70 = tpu.sem_alloc : memref<!tpu.dma_semaphore, #tpu.memory_space<semaphore_mem>>
        %dma_start3A_71 = arith.constant 0 : i32
        %dma_start3A_72 = tpu.memref_slice %arg5[%multiple_of3A_69, %dma_start3A_71] : memref<20000x128xf32, #tpu.memory_space<hbm>> -> memref<16x128xf32, #tpu.memory_space<hbm>>
        %dma_start3A_73 = arith.constant 9984 : i32
        %dma_start3A_74 = arith.constant 0 : i32
        %dma_start3A_75 = tpu.memref_slice %arg10[%dma_start3A_73, %dma_start3A_74] : memref<10000x128xf32, #tpu.memory_space<vmem_shared>> -> memref<16x128xf32, #tpu.memory_space<vmem_shared>>
        tpu.enqueue_dma source(%dma_start3A_75 : memref<16x128xf32, #tpu.memory_space<vmem_shared>>) target(%dma_start3A_72 : memref<16x128xf32, #tpu.memory_space<hbm>>) target_semaphore(%run_scoped3A_70 : memref<!tpu.dma_semaphore, #tpu.memory_space<semaphore_mem>>)
        %dma_wait3A_76 = arith.constant 0 : i32
        %dma_wait3A_77 = tpu.memref_slice %arg5[%multiple_of3A_69, %dma_wait3A_76] : memref<20000x128xf32, #tpu.memory_space<hbm>> -> memref<16x128xf32, #tpu.memory_space<hbm>>
        %dma_wait3A_78 = arith.constant 9984 : i32
        %dma_wait3A_79 = arith.constant 0 : i32
        %dma_wait3A_80 = tpu.memref_slice %arg10[%dma_wait3A_78, %dma_wait3A_79] : memref<10000x128xf32, #tpu.memory_space<vmem_shared>> -> memref<16x128xf32, #tpu.memory_space<vmem_shared>>
        tpu.wait_dma2 semaphore(%run_scoped3A_70 : memref<!tpu.dma_semaphore, #tpu.memory_space<semaphore_mem>>) src(%dma_wait3A_80 : memref<16x128xf32, #tpu.memory_space<vmem_shared>>) dst(%dma_wait3A_77 : memref<16x128xf32, #tpu.memory_space<hbm>>)
        tpu.yield
      }) : () -> ()
    } else {
    }
    return
  }
}

module attributes {stable_mosaic.version = 14 : i64} {
  func.func @_layer1_body(%arg0: i32, %arg1: i32, %arg2: memref<1x400x128xf32, #tpu.memory_space<vmem>>, %arg3: memref<1x400x128xf32, #tpu.memory_space<vmem>>, %arg4: memref<1x400x1xf32, #tpu.memory_space<vmem>>, %arg5: memref<1x400x1xf32, #tpu.memory_space<vmem>>, %arg6: memref<400x128xf32, #tpu.memory_space<vmem>>, %arg7: memref<128x128xf32, #tpu.memory_space<vmem>>, %arg8: memref<1x128xf32, #tpu.memory_space<vmem>>, %arg9: memref<128x128xf32, #tpu.memory_space<vmem>>, %arg10: memref<1x128xf32, #tpu.memory_space<vmem>>, %arg11: memref<1x128xf32, #tpu.memory_space<vmem>>, %arg12: memref<400x128xf32, #tpu.memory_space<vmem>>, %arg13: memref<10000x128xf32, #tpu.memory_space<vmem>>, %arg14: memref<8x128xf32, #tpu.memory_space<vmem>>) attributes {dimension_semantics = [#tpu.dimension_semantics<arbitrary>, #tpu.dimension_semantics<arbitrary>], iteration_bounds = array<i64: 2, 25>, scalar_prefetch = 0 : i64, scratch_operands = 2 : i64, tpu.core_type = #tpu.core_type<tc>, window_params = [{transform_indices = @transform_0, window_bounds = array<i64: 1, 400, 128>}, {transform_indices = @transform_1, window_bounds = array<i64: 1, 400, 128>}, {transform_indices = @transform_2, window_bounds = array<i64: 1, 400, 1>}, {transform_indices = @transform_3, window_bounds = array<i64: 1, 400, 1>}, {transform_indices = @transform_4, window_bounds = array<i64: 400, 128>}, {pipeline_mode = #tpu.pipeline_mode<synchronous>, transform_indices = @transform_5, window_bounds = array<i64: 128, 128>}, {pipeline_mode = #tpu.pipeline_mode<synchronous>, transform_indices = @transform_6, window_bounds = array<i64: 1, 128>}, {pipeline_mode = #tpu.pipeline_mode<synchronous>, transform_indices = @transform_7, window_bounds = array<i64: 128, 128>}, {pipeline_mode = #tpu.pipeline_mode<synchronous>, transform_indices = @transform_8, window_bounds = array<i64: 1, 128>}, {pipeline_mode = #tpu.pipeline_mode<synchronous>, transform_indices = @transform_9, window_bounds = array<i64: 1, 128>}, {transform_indices = @transform_10, window_bounds = array<i64: 400, 128>}]} {
    %eq3A = arith.constant 0 : i32
    %eq3A_0 = arith.cmpi eq, %arg0, %eq3A : i32
    %convert_element_type3A = arith.extui %eq3A_0 : i1 to i32
    %cond3A = arith.constant 0 : i32
    %cond3A_1 = arith.cmpi ne, %convert_element_type3A, %cond3A : i32
    scf.if %cond3A_1 {
      %get3A = arith.constant 0 : index
      %get3A_7 = arith.constant 0 : index
      %get3A_8 = arith.constant 0 : index
      %get3A_9 = vector.load %arg2[%get3A, %get3A_7, %get3A_8] : memref<1x400x128xf32, #tpu.memory_space<vmem>>, vector<1x400x128xf32>
      %get3A_10 = vector.shape_cast %get3A_9 : vector<1x400x128xf32> to vector<400x128xf32>
      %get3A_11 = arith.constant 0 : index
      %get3A_12 = arith.constant 0 : index
      %get3A_13 = arith.constant 0 : index
      %get3A_14 = vector.load %arg3[%get3A_11, %get3A_12, %get3A_13] : memref<1x400x128xf32, #tpu.memory_space<vmem>>, vector<1x400x128xf32>
      %get3A_15 = vector.shape_cast %get3A_14 : vector<1x400x128xf32> to vector<400x128xf32>
      %add3A = arith.addf %get3A_10, %get3A_15 : vector<400x128xf32>
      %get3A_16 = arith.constant 0 : index
      %get3A_17 = arith.constant 0 : index
      %get3A_18 = arith.constant 0 : index
      %get3A_19 = vector.load %arg4[%get3A_16, %get3A_17, %get3A_18] : memref<1x400x1xf32, #tpu.memory_space<vmem>>, vector<1x400x1xf32>
      %get3A_20 = vector.shape_cast %get3A_19 : vector<1x400x1xf32> to vector<400x1xf32>
      %get3A_21 = arith.constant 0 : index
      %get3A_22 = arith.constant 0 : index
      %get3A_23 = arith.constant 0 : index
      %get3A_24 = vector.load %arg5[%get3A_21, %get3A_22, %get3A_23] : memref<1x400x1xf32, #tpu.memory_space<vmem>>, vector<1x400x1xf32>
      %get3A_25 = vector.shape_cast %get3A_24 : vector<1x400x1xf32> to vector<400x1xf32>
      %add3A_26 = arith.addf %get3A_20, %get3A_25 : vector<400x1xf32>
      %max3A = arith.constant 1.000000e+00 : f32
      %max3A_27 = vector.broadcast %max3A : f32 to vector<400x1xf32>
      %max3A_28 = arith.maximumf %add3A_26, %max3A_27 : vector<400x1xf32>
      %div3A = vector.broadcast %max3A_28 : vector<400x1xf32> to vector<400x128xf32>
      %div3A_29 = arith.divf %add3A, %div3A : vector<400x128xf32>
      %get3A_30 = arith.constant 0 : index
      %get3A_31 = arith.constant 0 : index
      %get3A_32 = vector.load %arg7[%get3A_30, %get3A_31] : memref<128x128xf32, #tpu.memory_space<vmem>>, vector<128x128xf32>
      %dot_general3A = arith.constant dense<0.000000e+00> : vector<400x128xf32>
      %dot_general3A_33 = tpu.matmul %div3A_29, %get3A_32, %dot_general3A {dimension_numbers = #tpu.dot_dimension_numbers<[1], [0], [0], [1], [0, 0, 1, 1], [], []>, transpose_lhs_hint = false} : vector<400x128xf32>, vector<128x128xf32>, vector<400x128xf32> -> vector<400x128xf32>
      %get3A_34 = arith.constant 0 : index
      %get3A_35 = arith.constant 0 : index
      %get3A_36 = vector.load %arg6[%get3A_34, %get3A_35] : memref<400x128xf32, #tpu.memory_space<vmem>>, vector<400x128xf32>
      %get3A_37 = arith.constant 0 : index
      %get3A_38 = arith.constant 0 : index
      %get3A_39 = vector.load %arg9[%get3A_37, %get3A_38] : memref<128x128xf32, #tpu.memory_space<vmem>>, vector<128x128xf32>
      %dot_general3A_40 = arith.constant dense<0.000000e+00> : vector<400x128xf32>
      %dot_general3A_41 = tpu.matmul %get3A_36, %get3A_39, %dot_general3A_40 {dimension_numbers = #tpu.dot_dimension_numbers<[1], [0], [0], [1], [0, 0, 1, 1], [], []>, transpose_lhs_hint = false} : vector<400x128xf32>, vector<128x128xf32>, vector<400x128xf32> -> vector<400x128xf32>
      %add3A_42 = arith.addf %dot_general3A_33, %dot_general3A_41 : vector<400x128xf32>
      %get3A_43 = arith.constant 0 : index
      %get3A_44 = arith.constant 0 : index
      %get3A_45 = vector.load %arg8[%get3A_43, %get3A_44] : memref<1x128xf32, #tpu.memory_space<vmem>>, vector<1x128xf32>
      %add3A_46 = vector.broadcast %get3A_45 : vector<1x128xf32> to vector<400x128xf32>
      %add3A_47 = arith.addf %add3A_42, %add3A_46 : vector<400x128xf32>
      %mul3A = arith.constant 400 : i32
      %mul3A_48 = arith.muli %arg1, %mul3A : i32
      %swap3A = arith.index_cast %mul3A_48 : i32 to index
      %swap3A_49 = arith.constant 0 : index
      %swap3A_50 = vector.load %arg13[%swap3A, %swap3A_49] : memref<10000x128xf32, #tpu.memory_space<vmem>>, vector<400x128xf32>
      tpu.vector_store %arg13[%swap3A, %swap3A_49], %add3A_47 {strides = array<i32>} : memref<10000x128xf32, #tpu.memory_space<vmem>>, vector<400x128xf32>,
      %reduce_sum3A = arith.constant dense<0.000000e+00> : vector<128xf32>
      %reduce_sum3A_51 = vector.multi_reduction <add>, %add3A_47, %reduce_sum3A [0] : vector<400x128xf32> to vector<128xf32>
      %broadcast_in_dim3A = vector.shape_cast %reduce_sum3A_51 : vector<128xf32> to vector<1x128xf32>
      %mul3A_52 = arith.mulf %add3A_47, %add3A_47 : vector<400x128xf32>
      %reduce_sum3A_53 = arith.constant dense<0.000000e+00> : vector<128xf32>
      %reduce_sum3A_54 = vector.multi_reduction <add>, %mul3A_52, %reduce_sum3A_53 [0] : vector<400x128xf32> to vector<128xf32>
      %broadcast_in_dim3A_55 = vector.shape_cast %reduce_sum3A_54 : vector<128xf32> to vector<1x128xf32>
      %broadcast_in_dim3A_56 = arith.constant 0.000000e+00 : f32
      %broadcast_in_dim3A_57 = vector.broadcast %broadcast_in_dim3A_56 : f32 to vector<6x128xf32>
      %concatenate3A = tpu.concatenate %broadcast_in_dim3A, %broadcast_in_dim3A_55, %broadcast_in_dim3A_57 in 0 : vector<1x128xf32>, vector<1x128xf32>, vector<6x128xf32> -> vector<8x128xf32>
      %eq3A_58 = arith.constant 0 : i32
      %eq3A_59 = arith.cmpi eq, %arg1, %eq3A_58 : i32
      %convert_element_type3A_60 = arith.extui %eq3A_59 : i1 to i32
      %cond3A_61 = arith.constant 0 : i32
      %cond3A_62 = arith.cmpi ne, %convert_element_type3A_60, %cond3A_61 : i32
      scf.if %cond3A_62 {
        %swap3A_67 = arith.constant 0 : index
        %swap3A_68 = arith.constant 0 : index
        %swap3A_69 = vector.load %arg14[%swap3A_67, %swap3A_68] : memref<8x128xf32, #tpu.memory_space<vmem>>, vector<8x128xf32>
        tpu.vector_store %arg14[%swap3A_67, %swap3A_68], %concatenate3A {strides = array<i32>} : memref<8x128xf32, #tpu.memory_space<vmem>>, vector<8x128xf32>,
      } else {
      }
      %gt3A = arith.constant 0 : i32
      %gt3A_63 = arith.cmpi sgt, %arg1, %gt3A : i32
      %convert_element_type3A_64 = arith.extui %gt3A_63 : i1 to i32
      %cond3A_65 = arith.constant 0 : i32
      %cond3A_66 = arith.cmpi ne, %convert_element_type3A_64, %cond3A_65 : i32
      scf.if %cond3A_66 {
        %get3A_67 = arith.constant 0 : index
        %get3A_68 = arith.constant 0 : index
        %get3A_69 = vector.load %arg14[%get3A_67, %get3A_68] : memref<8x128xf32, #tpu.memory_space<vmem>>, vector<8x128xf32>
        %add3A_70 = arith.addf %get3A_69, %concatenate3A : vector<8x128xf32>
        %swap3A_71 = arith.constant 0 : index
        %swap3A_72 = arith.constant 0 : index
        %swap3A_73 = vector.load %arg14[%swap3A_71, %swap3A_72] : memref<8x128xf32, #tpu.memory_space<vmem>>, vector<8x128xf32>
        tpu.vector_store %arg14[%swap3A_71, %swap3A_72], %add3A_70 {strides = array<i32>} : memref<8x128xf32, #tpu.memory_space<vmem>>, vector<8x128xf32>,
      } else {
      }
    } else {
    }
    %eq3A_2 = arith.constant 1 : i32
    %eq3A_3 = arith.cmpi eq, %arg0, %eq3A_2 : i32
    %convert_element_type3A_4 = arith.extui %eq3A_3 : i1 to i32
    %cond3A_5 = arith.constant 0 : i32
    %cond3A_6 = arith.cmpi ne, %convert_element_type3A_4, %cond3A_5 : i32
    scf.if %cond3A_6 {
      %get3A = arith.constant 0 : index
      %get3A_7 = arith.constant 0 : index
      %get3A_8 = vector.load %arg14[%get3A, %get3A_7] : memref<8x128xf32, #tpu.memory_space<vmem>>, vector<8x128xf32>
      %slice3A = vector.extract_strided_slice %get3A_8 {offsets = [0, 0], sizes = [1, 128], strides = [1, 1]} : vector<8x128xf32> to vector<1x128xf32>
      %mul3A = arith.constant 9.99999974E-5 : f32
      %mul3A_9 = vector.broadcast %mul3A : f32 to vector<1x128xf32>
      %mul3A_10 = arith.mulf %slice3A, %mul3A_9 : vector<1x128xf32>
      %slice3A_11 = vector.extract_strided_slice %get3A_8 {offsets = [1, 0], sizes = [1, 128], strides = [1, 1]} : vector<8x128xf32> to vector<1x128xf32>
      %mul3A_12 = arith.constant 9.99999974E-5 : f32
      %mul3A_13 = vector.broadcast %mul3A_12 : f32 to vector<1x128xf32>
      %mul3A_14 = arith.mulf %slice3A_11, %mul3A_13 : vector<1x128xf32>
      %mul3A_15 = arith.mulf %mul3A_10, %mul3A_10 : vector<1x128xf32>
      %sub3A = arith.subf %mul3A_14, %mul3A_15 : vector<1x128xf32>
      %mul3A_16 = arith.constant 400 : i32
      %mul3A_17 = arith.muli %arg1, %mul3A_16 : i32
      %get3A_18 = arith.index_cast %mul3A_17 : i32 to index
      %get3A_19 = arith.constant 0 : index
      %get3A_20 = vector.load %arg13[%get3A_18, %get3A_19] : memref<10000x128xf32, #tpu.memory_space<vmem>>, vector<400x128xf32>
      %get3A_21 = arith.constant 0 : index
      %get3A_22 = arith.constant 0 : index
      %get3A_23 = vector.load %arg10[%get3A_21, %get3A_22] : memref<1x128xf32, #tpu.memory_space<vmem>>, vector<1x128xf32>
      %sub3A_24 = vector.broadcast %mul3A_10 : vector<1x128xf32> to vector<400x128xf32>
      %sub3A_25 = arith.subf %get3A_20, %sub3A_24 : vector<400x128xf32>
      %mul3A_26 = vector.broadcast %get3A_23 : vector<1x128xf32> to vector<400x128xf32>
      %mul3A_27 = arith.mulf %mul3A_26, %sub3A_25 : vector<400x128xf32>
      %add3A = arith.constant 9.99999974E-6 : f32
      %add3A_28 = vector.broadcast %add3A : f32 to vector<1x128xf32>
      %add3A_29 = arith.addf %sub3A, %add3A_28 : vector<1x128xf32>
      %rsqrt3A = math.rsqrt %add3A_29 : vector<1x128xf32>
      %mul3A_30 = vector.broadcast %rsqrt3A : vector<1x128xf32> to vector<400x128xf32>
      %mul3A_31 = arith.mulf %mul3A_27, %mul3A_30 : vector<400x128xf32>
      %get3A_32 = arith.constant 0 : index
      %get3A_33 = arith.constant 0 : index
      %get3A_34 = vector.load %arg11[%get3A_32, %get3A_33] : memref<1x128xf32, #tpu.memory_space<vmem>>, vector<1x128xf32>
      %add3A_35 = vector.broadcast %get3A_34 : vector<1x128xf32> to vector<400x128xf32>
      %add3A_36 = arith.addf %mul3A_31, %add3A_35 : vector<400x128xf32>
      %max3A = arith.constant 0.000000e+00 : f32
      %max3A_37 = vector.broadcast %max3A : f32 to vector<400x128xf32>
      %max3A_38 = arith.maximumf %add3A_36, %max3A_37 : vector<400x128xf32>
      %swap3A = arith.constant 0 : index
      %swap3A_39 = arith.constant 0 : index
      %swap3A_40 = vector.load %arg12[%swap3A, %swap3A_39] : memref<400x128xf32, #tpu.memory_space<vmem>>, vector<400x128xf32>
      tpu.vector_store %arg12[%swap3A, %swap3A_39], %max3A_38 {strides = array<i32>} : memref<400x128xf32, #tpu.memory_space<vmem>>, vector<400x128xf32>,
    } else {
    }
    return
  }
  func.func @transform_0(%arg0: i32, %arg1: i32) -> (i32, i32, i32) {
    %sub3A = arith.constant 1 : i32
    %sub3A_0 = arith.subi %sub3A, %arg0 : i32
    %mul3A = arith.muli %arg1, %sub3A_0 : i32
    %c0_i32 = arith.constant 0 : i32
    %c0_i32_1 = arith.constant 0 : i32
    %c0_i32_2 = arith.constant 0 : i32
    return %c0_i32, %mul3A, %c0_i32_1 : i32, i32, i32
  }
  func.func @transform_1(%arg0: i32, %arg1: i32) -> (i32, i32, i32) {
    %sub3A = arith.constant 1 : i32
    %sub3A_0 = arith.subi %sub3A, %arg0 : i32
    %mul3A = arith.muli %arg1, %sub3A_0 : i32
    %c1_i32 = arith.constant 1 : i32
    %c0_i32 = arith.constant 0 : i32
    %c0_i32_1 = arith.constant 0 : i32
    return %c1_i32, %mul3A, %c0_i32 : i32, i32, i32
  }
  func.func @transform_2(%arg0: i32, %arg1: i32) -> (i32, i32, i32) {
    %sub3A = arith.constant 1 : i32
    %sub3A_0 = arith.subi %sub3A, %arg0 : i32
    %mul3A = arith.muli %arg1, %sub3A_0 : i32
    %c0_i32 = arith.constant 0 : i32
    %c0_i32_1 = arith.constant 0 : i32
    %c0_i32_2 = arith.constant 0 : i32
    return %c0_i32, %mul3A, %c0_i32_1 : i32, i32, i32
  }
  func.func @transform_3(%arg0: i32, %arg1: i32) -> (i32, i32, i32) {
    %sub3A = arith.constant 1 : i32
    %sub3A_0 = arith.subi %sub3A, %arg0 : i32
    %mul3A = arith.muli %arg1, %sub3A_0 : i32
    %c1_i32 = arith.constant 1 : i32
    %c0_i32 = arith.constant 0 : i32
    %c0_i32_1 = arith.constant 0 : i32
    return %c1_i32, %mul3A, %c0_i32 : i32, i32, i32
  }
  func.func @transform_4(%arg0: i32, %arg1: i32) -> (i32, i32) {
    %sub3A = arith.constant 1 : i32
    %sub3A_0 = arith.subi %sub3A, %arg0 : i32
    %mul3A = arith.muli %arg1, %sub3A_0 : i32
    %c0_i32 = arith.constant 0 : i32
    %c0_i32_1 = arith.constant 0 : i32
    return %mul3A, %c0_i32 : i32, i32
  }
  func.func @transform_5(%arg0: i32, %arg1: i32) -> (i32, i32) {
    %c0_i32 = arith.constant 0 : i32
    %c0_i32_0 = arith.constant 0 : i32
    %c0_i32_1 = arith.constant 0 : i32
    return %c0_i32, %c0_i32_0 : i32, i32
  }
  func.func @transform_6(%arg0: i32, %arg1: i32) -> (i32, i32) {
    %c0_i32 = arith.constant 0 : i32
    %c0_i32_0 = arith.constant 0 : i32
    %c0_i32_1 = arith.constant 0 : i32
    return %c0_i32, %c0_i32_0 : i32, i32
  }
  func.func @transform_7(%arg0: i32, %arg1: i32) -> (i32, i32) {
    %c0_i32 = arith.constant 0 : i32
    %c0_i32_0 = arith.constant 0 : i32
    %c0_i32_1 = arith.constant 0 : i32
    return %c0_i32, %c0_i32_0 : i32, i32
  }
  func.func @transform_8(%arg0: i32, %arg1: i32) -> (i32, i32) {
    %c0_i32 = arith.constant 0 : i32
    %c0_i32_0 = arith.constant 0 : i32
    %c0_i32_1 = arith.constant 0 : i32
    return %c0_i32, %c0_i32_0 : i32, i32
  }
  func.func @transform_9(%arg0: i32, %arg1: i32) -> (i32, i32) {
    %c0_i32 = arith.constant 0 : i32
    %c0_i32_0 = arith.constant 0 : i32
    %c0_i32_1 = arith.constant 0 : i32
    return %c0_i32, %c0_i32_0 : i32, i32
  }
  func.func @transform_10(%arg0: i32, %arg1: i32) -> (i32, i32) {
    %mul3A = arith.muli %arg1, %arg0 : i32
    %c0_i32 = arith.constant 0 : i32
    %c0_i32_0 = arith.constant 0 : i32
    return %mul3A, %c0_i32 : i32, i32
  }
}

module attributes {stable_mosaic.version = 14 : i64} {
  func.func @_layer2_body(%arg0: i32, %arg1: i32, %arg2: memref<1x400x128xf32, #tpu.memory_space<vmem>>, %arg3: memref<1x400x128xf32, #tpu.memory_space<vmem>>, %arg4: memref<1x400x1xf32, #tpu.memory_space<vmem>>, %arg5: memref<1x400x1xf32, #tpu.memory_space<vmem>>, %arg6: memref<400x128xf32, #tpu.memory_space<vmem>>, %arg7: memref<128x128xf32, #tpu.memory_space<vmem>>, %arg8: memref<1x128xf32, #tpu.memory_space<vmem>>, %arg9: memref<128x128xf32, #tpu.memory_space<vmem>>, %arg10: memref<1x128xf32, #tpu.memory_space<vmem>>, %arg11: memref<1x128xf32, #tpu.memory_space<vmem>>, %arg12: memref<400x1xi32, #tpu.memory_space<vmem>>, %arg13: memref<128x64xf32, #tpu.memory_space<vmem>>, %arg14: memref<1x64xf32, #tpu.memory_space<vmem>>, %arg15: memref<64x1xf32, #tpu.memory_space<vmem>>, %arg16: memref<1x1xf32, #tpu.memory_space<vmem>>, %arg17: memref<128x1xf32, #tpu.memory_space<vmem>>, %arg18: memref<10000x128xf32, #tpu.memory_space<vmem>>, %arg19: memref<8x128xf32, #tpu.memory_space<vmem>>, %arg20: memref<128x128xf32, #tpu.memory_space<vmem>>) attributes {dimension_semantics = [#tpu.dimension_semantics<arbitrary>, #tpu.dimension_semantics<arbitrary>], iteration_bounds = array<i64: 2, 25>, scalar_prefetch = 0 : i64, scratch_operands = 3 : i64, tpu.core_type = #tpu.core_type<tc>, window_params = [{transform_indices = @transform_0, window_bounds = array<i64: 1, 400, 128>}, {transform_indices = @transform_1, window_bounds = array<i64: 1, 400, 128>}, {transform_indices = @transform_2, window_bounds = array<i64: 1, 400, 1>}, {transform_indices = @transform_3, window_bounds = array<i64: 1, 400, 1>}, {transform_indices = @transform_4, window_bounds = array<i64: 400, 128>}, {pipeline_mode = #tpu.pipeline_mode<synchronous>, transform_indices = @transform_5, window_bounds = array<i64: 128, 128>}, {pipeline_mode = #tpu.pipeline_mode<synchronous>, transform_indices = @transform_6, window_bounds = array<i64: 1, 128>}, {pipeline_mode = #tpu.pipeline_mode<synchronous>, transform_indices = @transform_7, window_bounds = array<i64: 128, 128>}, {pipeline_mode = #tpu.pipeline_mode<synchronous>, transform_indices = @transform_8, window_bounds = array<i64: 1, 128>}, {pipeline_mode = #tpu.pipeline_mode<synchronous>, transform_indices = @transform_9, window_bounds = array<i64: 1, 128>}, {transform_indices = @transform_10, window_bounds = array<i64: 400, 1>}, {pipeline_mode = #tpu.pipeline_mode<synchronous>, transform_indices = @transform_11, window_bounds = array<i64: 128, 64>}, {pipeline_mode = #tpu.pipeline_mode<synchronous>, transform_indices = @transform_12, window_bounds = array<i64: 1, 64>}, {pipeline_mode = #tpu.pipeline_mode<synchronous>, transform_indices = @transform_13, window_bounds = array<i64: 64, 1>}, {pipeline_mode = #tpu.pipeline_mode<synchronous>, transform_indices = @transform_14, window_bounds = array<i64: 1, 1>}, {pipeline_mode = #tpu.pipeline_mode<synchronous>, transform_indices = @transform_15, window_bounds = array<i64: 128, 1>}]} {
    %eq3A = arith.constant 0 : i32
    %eq3A_0 = arith.cmpi eq, %arg0, %eq3A : i32
    %convert_element_type3A = arith.extui %eq3A_0 : i1 to i32
    %cond3A = arith.constant 0 : i32
    %cond3A_1 = arith.cmpi ne, %convert_element_type3A, %cond3A : i32
    scf.if %cond3A_1 {
      %get3A = arith.constant 0 : index
      %get3A_7 = arith.constant 0 : index
      %get3A_8 = arith.constant 0 : index
      %get3A_9 = vector.load %arg2[%get3A, %get3A_7, %get3A_8] : memref<1x400x128xf32, #tpu.memory_space<vmem>>, vector<1x400x128xf32>
      %get3A_10 = vector.shape_cast %get3A_9 : vector<1x400x128xf32> to vector<400x128xf32>
      %get3A_11 = arith.constant 0 : index
      %get3A_12 = arith.constant 0 : index
      %get3A_13 = arith.constant 0 : index
      %get3A_14 = vector.load %arg3[%get3A_11, %get3A_12, %get3A_13] : memref<1x400x128xf32, #tpu.memory_space<vmem>>, vector<1x400x128xf32>
      %get3A_15 = vector.shape_cast %get3A_14 : vector<1x400x128xf32> to vector<400x128xf32>
      %add3A = arith.addf %get3A_10, %get3A_15 : vector<400x128xf32>
      %get3A_16 = arith.constant 0 : index
      %get3A_17 = arith.constant 0 : index
      %get3A_18 = arith.constant 0 : index
      %get3A_19 = vector.load %arg4[%get3A_16, %get3A_17, %get3A_18] : memref<1x400x1xf32, #tpu.memory_space<vmem>>, vector<1x400x1xf32>
      %get3A_20 = vector.shape_cast %get3A_19 : vector<1x400x1xf32> to vector<400x1xf32>
      %get3A_21 = arith.constant 0 : index
      %get3A_22 = arith.constant 0 : index
      %get3A_23 = arith.constant 0 : index
      %get3A_24 = vector.load %arg5[%get3A_21, %get3A_22, %get3A_23] : memref<1x400x1xf32, #tpu.memory_space<vmem>>, vector<1x400x1xf32>
      %get3A_25 = vector.shape_cast %get3A_24 : vector<1x400x1xf32> to vector<400x1xf32>
      %add3A_26 = arith.addf %get3A_20, %get3A_25 : vector<400x1xf32>
      %max3A = arith.constant 1.000000e+00 : f32
      %max3A_27 = vector.broadcast %max3A : f32 to vector<400x1xf32>
      %max3A_28 = arith.maximumf %add3A_26, %max3A_27 : vector<400x1xf32>
      %div3A = vector.broadcast %max3A_28 : vector<400x1xf32> to vector<400x128xf32>
      %div3A_29 = arith.divf %add3A, %div3A : vector<400x128xf32>
      %get3A_30 = arith.constant 0 : index
      %get3A_31 = arith.constant 0 : index
      %get3A_32 = vector.load %arg7[%get3A_30, %get3A_31] : memref<128x128xf32, #tpu.memory_space<vmem>>, vector<128x128xf32>
      %dot_general3A = arith.constant dense<0.000000e+00> : vector<400x128xf32>
      %dot_general3A_33 = tpu.matmul %div3A_29, %get3A_32, %dot_general3A {dimension_numbers = #tpu.dot_dimension_numbers<[1], [0], [0], [1], [0, 0, 1, 1], [], []>, transpose_lhs_hint = false} : vector<400x128xf32>, vector<128x128xf32>, vector<400x128xf32> -> vector<400x128xf32>
      %get3A_34 = arith.constant 0 : index
      %get3A_35 = arith.constant 0 : index
      %get3A_36 = vector.load %arg6[%get3A_34, %get3A_35] : memref<400x128xf32, #tpu.memory_space<vmem>>, vector<400x128xf32>
      %get3A_37 = arith.constant 0 : index
      %get3A_38 = arith.constant 0 : index
      %get3A_39 = vector.load %arg9[%get3A_37, %get3A_38] : memref<128x128xf32, #tpu.memory_space<vmem>>, vector<128x128xf32>
      %dot_general3A_40 = arith.constant dense<0.000000e+00> : vector<400x128xf32>
      %dot_general3A_41 = tpu.matmul %get3A_36, %get3A_39, %dot_general3A_40 {dimension_numbers = #tpu.dot_dimension_numbers<[1], [0], [0], [1], [0, 0, 1, 1], [], []>, transpose_lhs_hint = false} : vector<400x128xf32>, vector<128x128xf32>, vector<400x128xf32> -> vector<400x128xf32>
      %add3A_42 = arith.addf %dot_general3A_33, %dot_general3A_41 : vector<400x128xf32>
      %get3A_43 = arith.constant 0 : index
      %get3A_44 = arith.constant 0 : index
      %get3A_45 = vector.load %arg8[%get3A_43, %get3A_44] : memref<1x128xf32, #tpu.memory_space<vmem>>, vector<1x128xf32>
      %add3A_46 = vector.broadcast %get3A_45 : vector<1x128xf32> to vector<400x128xf32>
      %add3A_47 = arith.addf %add3A_42, %add3A_46 : vector<400x128xf32>
      %mul3A = arith.constant 400 : i32
      %mul3A_48 = arith.muli %arg1, %mul3A : i32
      %swap3A = arith.index_cast %mul3A_48 : i32 to index
      %swap3A_49 = arith.constant 0 : index
      %swap3A_50 = vector.load %arg18[%swap3A, %swap3A_49] : memref<10000x128xf32, #tpu.memory_space<vmem>>, vector<400x128xf32>
      tpu.vector_store %arg18[%swap3A, %swap3A_49], %add3A_47 {strides = array<i32>} : memref<10000x128xf32, #tpu.memory_space<vmem>>, vector<400x128xf32>,
      %reduce_sum3A = arith.constant dense<0.000000e+00> : vector<128xf32>
      %reduce_sum3A_51 = vector.multi_reduction <add>, %add3A_47, %reduce_sum3A [0] : vector<400x128xf32> to vector<128xf32>
      %broadcast_in_dim3A = vector.shape_cast %reduce_sum3A_51 : vector<128xf32> to vector<1x128xf32>
      %mul3A_52 = arith.mulf %add3A_47, %add3A_47 : vector<400x128xf32>
      %reduce_sum3A_53 = arith.constant dense<0.000000e+00> : vector<128xf32>
      %reduce_sum3A_54 = vector.multi_reduction <add>, %mul3A_52, %reduce_sum3A_53 [0] : vector<400x128xf32> to vector<128xf32>
      %broadcast_in_dim3A_55 = vector.shape_cast %reduce_sum3A_54 : vector<128xf32> to vector<1x128xf32>
      %broadcast_in_dim3A_56 = arith.constant 0.000000e+00 : f32
      %broadcast_in_dim3A_57 = vector.broadcast %broadcast_in_dim3A_56 : f32 to vector<6x128xf32>
      %concatenate3A = tpu.concatenate %broadcast_in_dim3A, %broadcast_in_dim3A_55, %broadcast_in_dim3A_57 in 0 : vector<1x128xf32>, vector<1x128xf32>, vector<6x128xf32> -> vector<8x128xf32>
      %eq3A_58 = arith.constant 0 : i32
      %eq3A_59 = arith.cmpi eq, %arg1, %eq3A_58 : i32
      %convert_element_type3A_60 = arith.extui %eq3A_59 : i1 to i32
      %cond3A_61 = arith.constant 0 : i32
      %cond3A_62 = arith.cmpi ne, %convert_element_type3A_60, %cond3A_61 : i32
      scf.if %cond3A_62 {
        %swap3A_67 = arith.constant 0 : index
        %swap3A_68 = arith.constant 0 : index
        %swap3A_69 = vector.load %arg19[%swap3A_67, %swap3A_68] : memref<8x128xf32, #tpu.memory_space<vmem>>, vector<8x128xf32>
        tpu.vector_store %arg19[%swap3A_67, %swap3A_68], %concatenate3A {strides = array<i32>} : memref<8x128xf32, #tpu.memory_space<vmem>>, vector<8x128xf32>,
      } else {
      }
      %gt3A = arith.constant 0 : i32
      %gt3A_63 = arith.cmpi sgt, %arg1, %gt3A : i32
      %convert_element_type3A_64 = arith.extui %gt3A_63 : i1 to i32
      %cond3A_65 = arith.constant 0 : i32
      %cond3A_66 = arith.cmpi ne, %convert_element_type3A_64, %cond3A_65 : i32
      scf.if %cond3A_66 {
        %get3A_67 = arith.constant 0 : index
        %get3A_68 = arith.constant 0 : index
        %get3A_69 = vector.load %arg19[%get3A_67, %get3A_68] : memref<8x128xf32, #tpu.memory_space<vmem>>, vector<8x128xf32>
        %add3A_70 = arith.addf %get3A_69, %concatenate3A : vector<8x128xf32>
        %swap3A_71 = arith.constant 0 : index
        %swap3A_72 = arith.constant 0 : index
        %swap3A_73 = vector.load %arg19[%swap3A_71, %swap3A_72] : memref<8x128xf32, #tpu.memory_space<vmem>>, vector<8x128xf32>
        tpu.vector_store %arg19[%swap3A_71, %swap3A_72], %add3A_70 {strides = array<i32>} : memref<8x128xf32, #tpu.memory_space<vmem>>, vector<8x128xf32>,
      } else {
      }
    } else {
    }
    %eq3A_2 = arith.constant 1 : i32
    %eq3A_3 = arith.cmpi eq, %arg0, %eq3A_2 : i32
    %convert_element_type3A_4 = arith.extui %eq3A_3 : i1 to i32
    %cond3A_5 = arith.constant 0 : i32
    %cond3A_6 = arith.cmpi ne, %convert_element_type3A_4, %cond3A_5 : i32
    scf.if %cond3A_6 {
      %get3A = arith.constant 0 : index
      %get3A_7 = arith.constant 0 : index
      %get3A_8 = vector.load %arg19[%get3A, %get3A_7] : memref<8x128xf32, #tpu.memory_space<vmem>>, vector<8x128xf32>
      %slice3A = vector.extract_strided_slice %get3A_8 {offsets = [0, 0], sizes = [1, 128], strides = [1, 1]} : vector<8x128xf32> to vector<1x128xf32>
      %mul3A = arith.constant 9.99999974E-5 : f32
      %mul3A_9 = vector.broadcast %mul3A : f32 to vector<1x128xf32>
      %mul3A_10 = arith.mulf %slice3A, %mul3A_9 : vector<1x128xf32>
      %slice3A_11 = vector.extract_strided_slice %get3A_8 {offsets = [1, 0], sizes = [1, 128], strides = [1, 1]} : vector<8x128xf32> to vector<1x128xf32>
      %mul3A_12 = arith.constant 9.99999974E-5 : f32
      %mul3A_13 = vector.broadcast %mul3A_12 : f32 to vector<1x128xf32>
      %mul3A_14 = arith.mulf %slice3A_11, %mul3A_13 : vector<1x128xf32>
      %mul3A_15 = arith.mulf %mul3A_10, %mul3A_10 : vector<1x128xf32>
      %sub3A = arith.subf %mul3A_14, %mul3A_15 : vector<1x128xf32>
      %mul3A_16 = arith.constant 400 : i32
      %mul3A_17 = arith.muli %arg1, %mul3A_16 : i32
      %get3A_18 = arith.index_cast %mul3A_17 : i32 to index
      %get3A_19 = arith.constant 0 : index
      %get3A_20 = vector.load %arg18[%get3A_18, %get3A_19] : memref<10000x128xf32, #tpu.memory_space<vmem>>, vector<400x128xf32>
      %get3A_21 = arith.constant 0 : index
      %get3A_22 = arith.constant 0 : index
      %get3A_23 = vector.load %arg10[%get3A_21, %get3A_22] : memref<1x128xf32, #tpu.memory_space<vmem>>, vector<1x128xf32>
      %sub3A_24 = vector.broadcast %mul3A_10 : vector<1x128xf32> to vector<400x128xf32>
      %sub3A_25 = arith.subf %get3A_20, %sub3A_24 : vector<400x128xf32>
      %mul3A_26 = vector.broadcast %get3A_23 : vector<1x128xf32> to vector<400x128xf32>
      %mul3A_27 = arith.mulf %mul3A_26, %sub3A_25 : vector<400x128xf32>
      %add3A = arith.constant 9.99999974E-6 : f32
      %add3A_28 = vector.broadcast %add3A : f32 to vector<1x128xf32>
      %add3A_29 = arith.addf %sub3A, %add3A_28 : vector<1x128xf32>
      %rsqrt3A = math.rsqrt %add3A_29 : vector<1x128xf32>
      %mul3A_30 = vector.broadcast %rsqrt3A : vector<1x128xf32> to vector<400x128xf32>
      %mul3A_31 = arith.mulf %mul3A_27, %mul3A_30 : vector<400x128xf32>
      %get3A_32 = arith.constant 0 : index
      %get3A_33 = arith.constant 0 : index
      %get3A_34 = vector.load %arg11[%get3A_32, %get3A_33] : memref<1x128xf32, #tpu.memory_space<vmem>>, vector<1x128xf32>
      %add3A_35 = vector.broadcast %get3A_34 : vector<1x128xf32> to vector<400x128xf32>
      %add3A_36 = arith.addf %mul3A_31, %add3A_35 : vector<400x128xf32>
      %max3A = arith.constant 0.000000e+00 : f32
      %max3A_37 = vector.broadcast %max3A : f32 to vector<400x128xf32>
      %max3A_38 = arith.maximumf %add3A_36, %max3A_37 : vector<400x128xf32>
      %get3A_39 = arith.constant 0 : index
      %get3A_40 = arith.constant 0 : index
      %get3A_41 = vector.load %arg12[%get3A_39, %get3A_40] : memref<400x1xi32, #tpu.memory_space<vmem>>, vector<400x1xi32>
      %iota3A = tpu.iota {dimensions = array<i32: 1>} : vector<400x128xi32>
      %eq3A_42 = vector.broadcast %get3A_41 : vector<400x1xi32> to vector<400x128xi32>
      %eq3A_43 = arith.cmpi eq, %eq3A_42, %iota3A : vector<400x128xi32>
      %convert_element_type3A_44 = arith.extui %eq3A_43 : vector<400x128xi1> to vector<400x128xi32>
      %convert_element_type3A_45 = arith.sitofp %convert_element_type3A_44 : vector<400x128xi32> to vector<400x128xf32>
      %dot_general3A = arith.constant dense<0.000000e+00> : vector<128x128xf32>
      %dot_general3A_46 = tpu.matmul %convert_element_type3A_45, %max3A_38, %dot_general3A {dimension_numbers = #tpu.dot_dimension_numbers<[0], [0], [1], [1], [0, 1, 1, 1], [], []>, transpose_lhs_hint = false} : vector<400x128xf32>, vector<400x128xf32>, vector<128x128xf32> -> vector<128x128xf32>
      %eq3A_47 = arith.constant 0 : i32
      %eq3A_48 = arith.cmpi eq, %arg1, %eq3A_47 : i32
      %convert_element_type3A_49 = arith.extui %eq3A_48 : i1 to i32
      %cond3A_50 = arith.constant 0 : i32
      %cond3A_51 = arith.cmpi ne, %convert_element_type3A_49, %cond3A_50 : i32
      scf.if %cond3A_51 {
        %swap3A = arith.constant 0 : index
        %swap3A_61 = arith.constant 0 : index
        %swap3A_62 = vector.load %arg20[%swap3A, %swap3A_61] : memref<128x128xf32, #tpu.memory_space<vmem>>, vector<128x128xf32>
        tpu.vector_store %arg20[%swap3A, %swap3A_61], %dot_general3A_46 {strides = array<i32>} : memref<128x128xf32, #tpu.memory_space<vmem>>, vector<128x128xf32>,
      } else {
      }
      %gt3A = arith.constant 0 : i32
      %gt3A_52 = arith.cmpi sgt, %arg1, %gt3A : i32
      %convert_element_type3A_53 = arith.extui %gt3A_52 : i1 to i32
      %cond3A_54 = arith.constant 0 : i32
      %cond3A_55 = arith.cmpi ne, %convert_element_type3A_53, %cond3A_54 : i32
      scf.if %cond3A_55 {
        %get3A_61 = arith.constant 0 : index
        %get3A_62 = arith.constant 0 : index
        %get3A_63 = vector.load %arg20[%get3A_61, %get3A_62] : memref<128x128xf32, #tpu.memory_space<vmem>>, vector<128x128xf32>
        %add3A_64 = arith.addf %get3A_63, %dot_general3A_46 : vector<128x128xf32>
        %swap3A = arith.constant 0 : index
        %swap3A_65 = arith.constant 0 : index
        %swap3A_66 = vector.load %arg20[%swap3A, %swap3A_65] : memref<128x128xf32, #tpu.memory_space<vmem>>, vector<128x128xf32>
        tpu.vector_store %arg20[%swap3A, %swap3A_65], %add3A_64 {strides = array<i32>} : memref<128x128xf32, #tpu.memory_space<vmem>>, vector<128x128xf32>,
      } else {
      }
      %eq3A_56 = arith.constant 24 : i32
      %eq3A_57 = arith.cmpi eq, %arg1, %eq3A_56 : i32
      %convert_element_type3A_58 = arith.extui %eq3A_57 : i1 to i32
      %cond3A_59 = arith.constant 0 : i32
      %cond3A_60 = arith.cmpi ne, %convert_element_type3A_58, %cond3A_59 : i32
      scf.if %cond3A_60 {
        %get3A_61 = arith.constant 0 : index
        %get3A_62 = arith.constant 0 : index
        %get3A_63 = vector.load %arg20[%get3A_61, %get3A_62] : memref<128x128xf32, #tpu.memory_space<vmem>>, vector<128x128xf32>
        %get3A_64 = arith.constant 0 : index
        %get3A_65 = arith.constant 0 : index
        %get3A_66 = vector.load %arg13[%get3A_64, %get3A_65] : memref<128x64xf32, #tpu.memory_space<vmem>>, vector<128x64xf32>
        %dot_general3A_67 = arith.constant dense<0.000000e+00> : vector<128x64xf32>
        %dot_general3A_68 = tpu.matmul %get3A_63, %get3A_66, %dot_general3A_67 {dimension_numbers = #tpu.dot_dimension_numbers<[1], [0], [0], [1], [0, 0, 1, 1], [], []>, transpose_lhs_hint = false} : vector<128x128xf32>, vector<128x64xf32>, vector<128x64xf32> -> vector<128x64xf32>
        %get3A_69 = arith.constant 0 : index
        %get3A_70 = arith.constant 0 : index
        %get3A_71 = vector.load %arg14[%get3A_69, %get3A_70] : memref<1x64xf32, #tpu.memory_space<vmem>>, vector<1x64xf32>
        %add3A_72 = vector.broadcast %get3A_71 : vector<1x64xf32> to vector<128x64xf32>
        %add3A_73 = arith.addf %dot_general3A_68, %add3A_72 : vector<128x64xf32>
        %max3A_74 = arith.constant 0.000000e+00 : f32
        %max3A_75 = vector.broadcast %max3A_74 : f32 to vector<128x64xf32>
        %max3A_76 = arith.maximumf %add3A_73, %max3A_75 : vector<128x64xf32>
        %get3A_77 = arith.constant 0 : index
        %get3A_78 = arith.constant 0 : index
        %get3A_79 = vector.load %arg15[%get3A_77, %get3A_78] : memref<64x1xf32, #tpu.memory_space<vmem>>, vector<64x1xf32>
        %dot_general3A_80 = arith.constant dense<0.000000e+00> : vector<128x1xf32>
        %dot_general3A_81 = tpu.matmul %max3A_76, %get3A_79, %dot_general3A_80 {dimension_numbers = #tpu.dot_dimension_numbers<[1], [0], [0], [1], [0, 0, 1, 1], [], []>, transpose_lhs_hint = false} : vector<128x64xf32>, vector<64x1xf32>, vector<128x1xf32> -> vector<128x1xf32>
        %get3A_82 = arith.constant 0 : index
        %get3A_83 = arith.constant 0 : index
        %get3A_84 = vector.load %arg16[%get3A_82, %get3A_83] : memref<1x1xf32, #tpu.memory_space<vmem>>, vector<1x1xf32>
        %add3A_85 = vector.broadcast %get3A_84 : vector<1x1xf32> to vector<128x1xf32>
        %add3A_86 = arith.addf %dot_general3A_81, %add3A_85 : vector<128x1xf32>
        %swap3A = arith.constant 0 : index
        %swap3A_87 = arith.constant 0 : index
        %swap3A_88 = vector.load %arg17[%swap3A, %swap3A_87] : memref<128x1xf32, #tpu.memory_space<vmem>>, vector<128x1xf32>
        tpu.vector_store %arg17[%swap3A, %swap3A_87], %add3A_86 {strides = array<i32>} : memref<128x1xf32, #tpu.memory_space<vmem>>, vector<128x1xf32>,
      } else {
      }
    } else {
    }
    return
  }
  func.func @transform_0(%arg0: i32, %arg1: i32) -> (i32, i32, i32) {
    %sub3A = arith.constant 1 : i32
    %sub3A_0 = arith.subi %sub3A, %arg0 : i32
    %mul3A = arith.muli %arg1, %sub3A_0 : i32
    %c0_i32 = arith.constant 0 : i32
    %c0_i32_1 = arith.constant 0 : i32
    %c0_i32_2 = arith.constant 0 : i32
    return %c0_i32, %mul3A, %c0_i32_1 : i32, i32, i32
  }
  func.func @transform_1(%arg0: i32, %arg1: i32) -> (i32, i32, i32) {
    %sub3A = arith.constant 1 : i32
    %sub3A_0 = arith.subi %sub3A, %arg0 : i32
    %mul3A = arith.muli %arg1, %sub3A_0 : i32
    %c1_i32 = arith.constant 1 : i32
    %c0_i32 = arith.constant 0 : i32
    %c0_i32_1 = arith.constant 0 : i32
    return %c1_i32, %mul3A, %c0_i32 : i32, i32, i32
  }
  func.func @transform_2(%arg0: i32, %arg1: i32) -> (i32, i32, i32) {
    %sub3A = arith.constant 1 : i32
    %sub3A_0 = arith.subi %sub3A, %arg0 : i32
    %mul3A = arith.muli %arg1, %sub3A_0 : i32
    %c0_i32 = arith.constant 0 : i32
    %c0_i32_1 = arith.constant 0 : i32
    %c0_i32_2 = arith.constant 0 : i32
    return %c0_i32, %mul3A, %c0_i32_1 : i32, i32, i32
  }
  func.func @transform_3(%arg0: i32, %arg1: i32) -> (i32, i32, i32) {
    %sub3A = arith.constant 1 : i32
    %sub3A_0 = arith.subi %sub3A, %arg0 : i32
    %mul3A = arith.muli %arg1, %sub3A_0 : i32
    %c1_i32 = arith.constant 1 : i32
    %c0_i32 = arith.constant 0 : i32
    %c0_i32_1 = arith.constant 0 : i32
    return %c1_i32, %mul3A, %c0_i32 : i32, i32, i32
  }
  func.func @transform_4(%arg0: i32, %arg1: i32) -> (i32, i32) {
    %sub3A = arith.constant 1 : i32
    %sub3A_0 = arith.subi %sub3A, %arg0 : i32
    %mul3A = arith.muli %arg1, %sub3A_0 : i32
    %c0_i32 = arith.constant 0 : i32
    %c0_i32_1 = arith.constant 0 : i32
    return %mul3A, %c0_i32 : i32, i32
  }
  func.func @transform_5(%arg0: i32, %arg1: i32) -> (i32, i32) {
    %c0_i32 = arith.constant 0 : i32
    %c0_i32_0 = arith.constant 0 : i32
    %c0_i32_1 = arith.constant 0 : i32
    return %c0_i32, %c0_i32_0 : i32, i32
  }
  func.func @transform_6(%arg0: i32, %arg1: i32) -> (i32, i32) {
    %c0_i32 = arith.constant 0 : i32
    %c0_i32_0 = arith.constant 0 : i32
    %c0_i32_1 = arith.constant 0 : i32
    return %c0_i32, %c0_i32_0 : i32, i32
  }
  func.func @transform_7(%arg0: i32, %arg1: i32) -> (i32, i32) {
    %c0_i32 = arith.constant 0 : i32
    %c0_i32_0 = arith.constant 0 : i32
    %c0_i32_1 = arith.constant 0 : i32
    return %c0_i32, %c0_i32_0 : i32, i32
  }
  func.func @transform_8(%arg0: i32, %arg1: i32) -> (i32, i32) {
    %c0_i32 = arith.constant 0 : i32
    %c0_i32_0 = arith.constant 0 : i32
    %c0_i32_1 = arith.constant 0 : i32
    return %c0_i32, %c0_i32_0 : i32, i32
  }
  func.func @transform_9(%arg0: i32, %arg1: i32) -> (i32, i32) {
    %c0_i32 = arith.constant 0 : i32
    %c0_i32_0 = arith.constant 0 : i32
    %c0_i32_1 = arith.constant 0 : i32
    return %c0_i32, %c0_i32_0 : i32, i32
  }
  func.func @transform_10(%arg0: i32, %arg1: i32) -> (i32, i32) {
    %mul3A = arith.muli %arg1, %arg0 : i32
    %c0_i32 = arith.constant 0 : i32
    %c0_i32_0 = arith.constant 0 : i32
    return %mul3A, %c0_i32 : i32, i32
  }
  func.func @transform_11(%arg0: i32, %arg1: i32) -> (i32, i32) {
    %c0_i32 = arith.constant 0 : i32
    %c0_i32_0 = arith.constant 0 : i32
    %c0_i32_1 = arith.constant 0 : i32
    return %c0_i32, %c0_i32_0 : i32, i32
  }
  func.func @transform_12(%arg0: i32, %arg1: i32) -> (i32, i32) {
    %c0_i32 = arith.constant 0 : i32
    %c0_i32_0 = arith.constant 0 : i32
    %c0_i32_1 = arith.constant 0 : i32
    return %c0_i32, %c0_i32_0 : i32, i32
  }
  func.func @transform_13(%arg0: i32, %arg1: i32) -> (i32, i32) {
    %c0_i32 = arith.constant 0 : i32
    %c0_i32_0 = arith.constant 0 : i32
    %c0_i32_1 = arith.constant 0 : i32
    return %c0_i32, %c0_i32_0 : i32, i32
  }
  func.func @transform_14(%arg0: i32, %arg1: i32) -> (i32, i32) {
    %c0_i32 = arith.constant 0 : i32
    %c0_i32_0 = arith.constant 0 : i32
    %c0_i32_1 = arith.constant 0 : i32
    return %c0_i32, %c0_i32_0 : i32, i32
  }
  func.func @transform_15(%arg0: i32, %arg1: i32) -> (i32, i32) {
    %c0_i32 = arith.constant 0 : i32
    %c0_i32_0 = arith.constant 0 : i32
    %c0_i32_1 = arith.constant 0 : i32
    return %c0_i32, %c0_i32_0 : i32, i32
  }
}

</mosaic_0001>

<sc_bundles>
// kernel: kernel.6.cloned.1.call-start
scs
__scs_entry_jumppad:
0x0: {  	(pc) =	sbr.rel $0x88, $3  }
0x1: {  	(tag) =	ssettag $0x0;
	lr =	simm.s32 $0x1  }
0x2: {  	[smem:$0x3F90] =	sst lr;
	_ =	strace $0xD0000000  }
0x3: {  	_ = 	snop  }
0x4: {  	_ = 	snop  }
0x5: {  	_ = 	snop  }
0x6: {  	_ = 	snop  }
0x7: {  	_ = 	snop  }
__scs_overlays_trampoline_lowered:
0x8: {  	[smem:$0x3F9F] =	sst s0  }
0x9: {  	[smem:$0x3FA0] =	sst s1  }
0xa: {  	[smem:$0x3FA1] =	sst s2  }
0xb: {  	[smem:$0x3FA2] =	sst s3  }
0xc: {  	[smem:$0x3FA3] =	sst s4  }
0xd: {  	[smem:$0x3FA4] =	sst s5  }
0xe: {  	[smem:$0x3FA5] =	sst s6  }
0xf: {  	[smem:$0x3FA6] =	sst s7  }
0x10: {  	[smem:$0x3FA7] =	sst s8  }
0x11: {  	[smem:$0x3FA8] =	sst s9;
	s0 =	simm.s32 @!p0 $0x0  }
0x12: {  	s1 =	sld [smem:$0x3F8E];
	s0 =	simm.s32 @p0 $0x1  }
0x13: {  	[smem:$0x3FA9] =	sst s0;
	s0 =	simm.s32 @!p1 $0x0  }
0x14: {  	s2 =	sld [smem:$0x3F8D];
	s0 =	simm.s32 @p1 $0x1  }
0x15: {  	[smem:$0x3FAA] =	sst s0;
	s0 =	simm.s32 @!p2 $0x0  }
0x16: {  	s3 =	sld [smem:$0x3FDB];
	s0 =	simm.s32 @p2 $0x1  }
0x17: {  	s4 =	simm.s32 $0x1BF5;
	[smem:$0x3FAC] =	sst s0  }
0x18: {  	s0 =	sld [smem:$0x3F8F];
	_ =	swait.ge [sflag:s4], $0x0  }
0x19: {  	s7 =	sld [smem:$0x3F90]  }
0x1a: {  	s8 =	sadd.s32 $0xFFFFE003, lr  }
0x1b: {  	s9 =	sadd.s32 $0xFFFFFEF7, lr;
	s5 =	simm.s32 $0xFFFFFFFF;
	p2 =	slt.u32 s8, $0xFFFFF086  }
0x1c: {  	p1 =	slt.u32 s9, $0xF7A;
	s5 =	simm.s32 @!p2 $0x0  }
0x1d: {  	s5 =	simm.s32 @p1 $0x1;
	p0 =	seq.s32 s7, s2  }
0x1e: {  	s7 =	smul.u32 @!p0 $0xF7A, s2;
	p2 =	seq.s32 @!p0 s5, $0x0  }
0x1f: {  	s9 =	smul.u32 $0xF7A, s1;
	s8 =	simm.s32 @!p0 $0x1BF5;
	p2 =	por !p2, p0  }
0x20: {  	[sflag:s8] =	ssyncset.s32 @!p0 $0xFFFFF086;
	s6 =	sadd.s32 @!p0 s3, s7;
	s7 =	simm.s32 @!p0 $0x108  }
0x21: {  	s3 =	sadd.s32 s3, s9;
	s6 =	sadd.s32 @!p0 $0x88, s6;
	s7 =	simm.s32 @p2 $0x1082  }
0x22: {  	[simem:s7], [sflag:s8] =	dma.local @!p0 [hbm:s6], $0xF7A  }
0x23: {  	s9 =	sor.u32 $0xD0000000, s2;
	s6 =	simm.s32 $0x108;
	_ =	swait.ge @!p0 [sflag:s8], $0x0  }
0x24: {  	s3 =	sadd.s32 $0x88, s3;
	s6 =	simm.s32 @!p1 $0x1082;
	[sflag:s4] =	ssyncset.s32 $0xFFFFF086  }
0x25: {  	[simem:s6], [sflag:s4] =	dma.local [hbm:s3], $0xF7A  }
0x26: {  	[smem:$0x3F90] =	sst s1;
	(tag) =	ssettag s2;
	_ =	strace s9  }
0x27: {  	s1 =	sld [smem:$0x3FA0]  }
0x28: {  	s2 =	sld [smem:$0x3FA1]  }
0x29: {  	s4 =	sld [smem:$0x3FA3]  }
0x2a: {  	p0 =	seq.s32 s5, $0x0;
	s5 =	sld [smem:$0x3FA4]  }
0x2b: {  	s6 =	sld [smem:$0x3FA5]  }
0x2c: {  	s7 =	sld [smem:$0x3FA6]  }
0x2d: {  	s3 =	simm.s32 $0x108;
	s8 =	sld [smem:$0x3FA7]  }
0x2e: {  	s3 =	simm.s32 @!p0 $0x1082;
	s9 =	sld [smem:$0x3FA8]  }
0x2f: {  	lr =	sadd.s32 s0, s3;
	s0 =	sld [smem:$0x3F9F]  }
0x30: {  	s3 =	sld [smem:$0x3FA2]  }
0x31: {  	[smem:$0x3FAB] =	sst s10  }
0x32: {  	s10 =	sld [smem:$0x3FA9];
	_ =	sdelay $0x3  }
0x33: {  	p0 =	seq.s32 s10, $0x1;
	s10 =	sld [smem:$0x3FAB];
	_ =	sdelay $0x3  }
0x34: {  	[smem:$0x3FAB] =	sst s10  }
0x35: {  	s10 =	sld [smem:$0x3FAA];
	_ =	sdelay $0x3  }
0x36: {  	p1 =	seq.s32 s10, $0x1;
	s10 =	sld [smem:$0x3FAB];
	_ =	sdelay $0x3  }
0x37: {  	[smem:$0x3FAB] =	sst s10  }
0x38: {  	s10 =	sld [smem:$0x3FAC]  }
0x39: {  	_ = 	snop;
	(pc) =	sbr.ind lr, $3  }
0x3a: {  	_ = 	snop  }
0x3b: {  	_ = 	snop  }
0x3c: {  	p2 =	seq.s32 s10, $0x1;
	s10 =	sld [smem:$0x3FAB]  }
0x3d: {  	_ =	shalt  }
0x3e: {  	_ =	shalt  }
0x3f: {  	_ =	shalt  }
0x40: {  	_ =	shalt  }
0x41: {  	_ =	shalt  }
0x42: {  	_ =	shalt  }
0x43: {  	_ =	shalt  }
0x44: {  	_ =	shalt  }
0x45: {  	_ =	shalt  }
0x46: {  	_ =	shalt  }
0x47: {  	_ =	shalt  }
0x48: {  	_ =	shalt  }
0x49: {  	_ =	shalt  }
0x4a: {  	_ =	shalt  }
0x4b: {  	_ =	shalt  }
0x4c: {  	_ =	shalt  }
0x4d: {  	_ =	shalt  }
0x4e: {  	_ =	shalt  }
0x4f: {  	_ =	shalt  }
0x50: {  	_ =	shalt  }
0x51: {  	_ =	shalt  }
0x52: {  	_ =	shalt  }
0x53: {  	_ =	shalt  }
0x54: {  	_ =	shalt  }
0x55: {  	_ =	shalt  }
0x56: {  	_ =	shalt  }
0x57: {  	_ =	shalt  }
0x58: {  	_ =	shalt  }
0x59: {  	_ =	shalt  }
0x5a: {  	_ =	shalt  }
0x5b: {  	_ =	shalt  }
0x5c: {  	_ =	shalt  }
0x5d: {  	_ =	shalt  }
0x5e: {  	_ =	shalt  }
0x5f: {  	_ =	shalt  }
0x60: {  	_ =	shalt  }
0x61: {  	_ =	shalt  }
0x62: {  	_ =	shalt  }
0x63: {  	_ =	shalt  }
0x64: {  	_ =	shalt  }
0x65: {  	_ =	shalt  }
0x66: {  	_ =	shalt  }
0x67: {  	_ =	shalt  }
0x68: {  	_ =	shalt  }
0x69: {  	_ =	shalt  }
0x6a: {  	_ =	shalt  }
0x6b: {  	_ =	shalt  }
0x6c: {  	_ =	shalt  }
0x6d: {  	_ =	shalt  }
0x6e: {  	_ =	shalt  }
0x6f: {  	_ =	shalt  }
0x70: {  	_ =	shalt  }
0x71: {  	_ =	shalt  }
0x72: {  	_ =	shalt  }
0x73: {  	_ =	shalt  }
0x74: {  	_ =	shalt  }
0x75: {  	_ =	shalt  }
0x76: {  	_ =	shalt  }
0x77: {  	_ =	shalt  }
0x78: {  	_ =	shalt  }
0x79: {  	_ =	shalt  }
0x7a: {  	_ =	shalt  }
0x7b: {  	_ =	shalt  }
0x7c: {  	_ =	shalt  }
0x7d: {  	_ =	shalt  }
0x7e: {  	_ =	shalt  }
0x7f: {  	_ =	shalt  }
0x80: {  	_ =	shalt  }
0x81: {  	_ =	shalt  }
0x82: {  	_ =	shalt  }
0x83: {  	_ =	shalt  }
0x84: {  	_ =	shalt  }
0x85: {  	_ =	shalt  }
0x86: {  	_ =	shalt  }
0x87: {  	_ =	shalt  }
.Lfunc_end0:
.L_simem_size_0:
called_computation_lowered:
.L_overlay_start_0:
0x88: {  	s2 =	sld [smem:$0x3FD9]  }
0x89: {  	s3 =	sld [smem:$0x3FFE];
	_ =	sdelay $0x1  }
0x8a: {  	s1 =	srdreg.scid  }
0x8b: {  	s0 =	sand.u32 $0x1, s1  }
0x8c: {  	s17 =	sshll.u32 s0, $0xA;
	s2 =	sadd.s32 s3, s2  }
0x8d: {  	s2 =	sadd.s32 s2, s17  }
0x8e: {  	[smem:$0x3FB7] =	sst s2  }
0x8f: {  	_ = 	snop  }
0x90: {  	s2 =	sld [smem:$0x3FC9];
	(tm) =	ssettm $0x1  }
0x91: {  	s18 =	sld [smem:$0x3FFB];
	_ =	sdelay $0x3  }
0x92: {  	_ =	strace s18  }
0x93: {  	s3 =	sld [smem:$0x3FFC];
	_ =	sdelay $0x3  }
0x94: {  	_ =	strace s3  }
0x95: {  	s3 =	sld [smem:$0x3FFD];
	_ =	sdelay $0x3  }
0x96: {  	_ =	strace s3  }
0x97: {  	_ =	strace $0x8FFFFFFF  }
0x98: {  	s19 =	sld [smem:$0x3FDB];
	_ =	sdelay $0x1  }
0x99: {  	s4 =	simm.s32 $_scs_section_size  }
0x9a: {  	s5 =	simm.s32 $_size__tile_overlayer_lowered;
	s6 =	simm.s32 $_tile_overlayer_lowered  }
0x9b: {  	s22 =	simm.s32 $0x1BFF;
	s21 =	sshll.u32 s6, $0x1;
	s3 =	sadd.s32 s4, s19  }
0x9c: {  	s7 =	simm.s32 $0x0;
	s20 =	sshll.u32 s5, $0x1;
	s5 =	sadd.s32 s21, s3  }
0x9d: {  	[timem:s7], [sflag:s22] =	dma.local [hbm:s5], s20  }
0x9e: {  	_ =	swait.ge [sflag:s22], s20  }
0x9f: {  	s4 =	ssub.s32 $0x0, s20;
	[sflag:s22] =	ssyncset.done $0x0  }
0xa0: {  	[sflag:s22] =	ssyncadd.s32 s4;
	_ =	sdelay $0x1  }
0xa1: {  	s23 =	simm.s32 $0x1B8B  }
0xa2: {  	_ =	swait.ge [sflag:s23], $0x1  }
0xa3: {  	[sflag:s23] =	ssyncset.done $0x0  }
0xa4: {  	s25 =	simm.s32 $0x1B8E;
	s24 =	sld [smem:$0x3FFE];
	[sflag:s23] =	ssyncadd.s32 $0xFFFFFFFF  }
0xa5: {  	s26 =	simm.s32 $execute0_lowered;
	[smem:$0x3FD2] =	sst s25  }
0xa6: {  	s5 =	sshll.u32 s26, $0x1;
	_ =	strace $0x80000046;
	[dreg:$0x1] =	wrdreg $0xFFFFFFFF  }
0xa7: {  	s28 =	simm.s32 $_size_execute0_lowered;
	s3 =	sadd.s32 s3, s5;
	[dreg:$0x0] =	wrdreg $0x0  }
0xa8: {  	s5 =	sshll.u32 s28, $0x1;
	[dreg:$0x2] =	wrdreg s3  }
0xa9: {  	[dreg:$0x3] =	wrdreg s5  }
0xaa: {  	[dreg:$0x4] =	wrdreg $0xC0  }
0xab: {  	_ =	task [dreg:s7], $0x5FFFF  }
0xac: {  	[dreg:$0x1] =	wrdreg $0xFFFFFFFF  }
0xad: {  	[dreg:$0x0] =	wrdreg $0x60  }
0xae: {  	[dreg:$0x2] =	wrdreg s2  }
0xaf: {  	[dreg:$0x3] =	wrdreg s24  }
0xb0: {  	[dreg:$0x4] =	wrdreg $0x56800  }
0xb1: {  	[dreg:$0x5] =	wrdreg $0x18F000  }
0xb2: {  	[dreg:$0x6] =	wrdreg $0x9  }
0xb3: {  	_ =	task.clear_ibuf [dreg:s7], $0x7FFFF;
	_ =	strace $0x90000046  }
0xb4: {  	s29 =	simm.s32 $0x9;
	_ =	strace $0x80000048  }
0xb5: {  	_ =	swait.ge [sflag:s29], $0x1  }
0xb6: {  	[sflag:s29] =	ssyncadd.s32 $0xFFFFFFFF  }
0xb7: {  	_ =	strace $0x90000048  }
0xb8: {  	_ =	sfence  }
0xb9: {  	s30 =	sld [smem:$0x0];
	_ =	sdelay $0x2  }
0xba: {  	s31 =	sshll.u32 s1, $0xD;
	s1 =	sshrl.u32 s1, $0x2  }
0xbb: {  	s3 =	sand.u32 $0x4000, s31;
	s1 =	sadd.s32 s1, s30  }
0xbc: {  	s0 =	sor.u32 s3, s0;
	s1 =	sshll.u32 s1, $0x11  }
0xbd: {  	s0 =	sor.u32 s1, s0  }
0xbe: {  	s0 =	sadd.s32 $0x8F2B, s0  }
0xbf: {  	[sflag:s0] =	ssyncadd.remote.s32 $0x1  }
0xc0: {  	_ =	sfence.sel $0xFFFF  }
0xc1: {  	[dreg:$0x0] =	wrdreg $0xFFFFFFFF;
	(pc) =	sbr.abs _section_cstart, $3  }
0xc2: {  	[dreg:$0x1] =	wrdreg $0xFFFFFFFF  }
0xc3: {  	_ =	task.clear_ibuf [dreg:s7], $0x2FFFF;
	_ =	strace $0x9FFFFFFF  }
0xc4: {  	(tm) =	ssettm $0x7FFFFFFF  }
0xc5: {  	_ =	shalt  }
tec
execute0_lowered:
.L_overlay_start_1:
0x0: {  	(tag) =	ssettag $0x1  }
0x1: {  	s1 =	rddreg [dreg:$0x0]  }
0x2: {  	s0 =	rddreg [dreg:$0x1]  }
0x3: {  	s2 =	rddreg [dreg:$0x2]  }
0x4: {  	s3 =	rddreg [dreg:$0x3];
	s6 =	stileid.u32  }
0x5: {  	s4 =	simm.s32 $0x0;
	s7 =	srdreg.scid;
	s28 =	simm.s32 $0x2A00  }
0x6: {  	s29 =	simm.s32 $0x3;
	s30 =	simm.s32 $0x80;
	s5 =	smul.u32 $0x2700, s6  }
0x7: {  	s31 =	simm.s32 $0x5200;
	[smem:$0x7FF] =	sst s4;
	s10 =	smul.u32 $0x3E8, s6  }
0x8: {  	s11 =	sand.u32 $0x1, s7;
	s18 =	sadd.s32 $0x3000, s0;
	s17 =	smul.u32 $0x4E000, s6  }
0x9: {  	s14 =	sadd.s32 $0x4A600, s0;
	s19 =	smul.u32 $0x270, s6;
	p0 =	sne.s32 s6, $0x0  }
0xa: {  	p1 =	sgt.u32 s6, $0x9;
	_ =	strace $0x80000047;
	s12 =	smul.u32 $0x2710, s11  }
0xb: {  	s8 =	sshll.u32 s11, $0x4;
	s23 =	ssub.s32 $0x2, s11;
	s26 =	sadd.s32 s5, s0  }
0xc: {  	s21 =	sshrl.u32 s10, $0x3;
	s8 =	sor.u32 s6, s8;
	s16 =	sshrl.u32 s23, $0x1  }
0xd: {  	s25 =	sshrl.u32 s17, $0x2;
	s13 =	sadd.s32 s21, s0;
	s9 =	smul.u32 $0x7D00, s8  }
0xe: {  	s22 =	sadd.s32 s10, s12;
	s8 =	smul.u32 $0xFA0, s8;
	s16 =	ssub.s32 s23, s16  }
0xf: {  	s20 =	sadd.s32 s25, s2;
	s7 =	sadd.s32 $0x22400, s26;
	s26 =	sshll.u32 s6, $0x6  }
0x10: {  	s25 =	smul.u32 $0xFA00, s11;
	s5 =	sshrl.u32 s22, $0x3;
	[dreg:$0x6] =	wrdreg s7  }
0x11: {  	s7 =	smul.u32 $0x138800, s11;
	s21 =	sadd.s32 $0x49600, s13;
	s22 =	sadd.s32 s19, s12  }
0x12: {  	s12 =	sadd.s32 s10, s3;
	s16 =	smax.u32 s16, $0x1;
	s19 =	simm.s32 $0x100  }
0x13: {  	s20 =	sshrl.u32 s20, $0x3;
	s11 =	simm.s32 $0x0;
	s15 =	sadd.s32 s5, s0  }
0x14: {  	s9 =	sshrl.u32 s9, $0x3;
	s5 =	sadd.s32 s18, s8;
	s0 =	sadd.s32 $0x49400, s0  }
0x15: {  	[dreg:$0x8] =	wrdreg s21;
	s10 =	sadd.s32 s25, s18;
	s21 =	simm.s32 $0x5  }
0x16: {  	s25 =	simm.s32 $0x200;
	s24 =	sadd.s32 s18, s9;
	s9 =	sadd.s32 $0x138000, s2  }
0x17: {  	[dreg:$0x7] =	wrdreg s0;
	s0 =	sshll.u32 s22, $0x4;
	s23 =	sshrl.u32 s7, $0x3  }
0x18: {  	s15 =	sadd.s32 $0x49C00, s15;
	s17 =	sadd.s32 $0xF80, s5;
	s8 =	sadd.s32 $0x20, s24  }
0x19: {  	s13 =	sadd.s32 s14, s0;
	s24 =	sadd.s32 s14, s23;
	s23 =	simm.s32 $0x1  }
0x1a: {  	[dreg:$0x5] =	wrdreg s8;
	s8 =	sor.u32 $0x1C05, s26;
	s26 =	smul.u32 $0xFA0, s6  }
0x1b: {  	s0 =	simm.s32 $0x4;
	s14 =	sadd.s32 $0x27000, s24;
	s24 =	simm.s32 $0x50  }
0x1c: {  	v0 =	vimm.f32 $1.000000000e+00;
	s18 =	sadd.s32 s26, s10;
	s26 =	simm.s32 $0x2;
	s10 =	simm.s32 $0x180  }
.LBB2_1:
0x1d: {  	[tilespmem:s4], [sflag:$0x1] =	stream.linear.gather [hbm4b:s5+s4], $0x100, $0x38;
	[tilespmem:$0x19178] =	vst v63  }
0x1e: {  	s6 =	rddreg [dreg:$0x5]  }
0x1f: {  	[tilespmem:s19], [sflag:$0x2] =	stream.linear.gather [hbm4b:s6+s4], $0x100, $0x38;
	[tilespmem:$0x19178] =	vst v63  }
.Ltmp0:
0x20: {  	s22 =	rddreg [dreg:$0x6];
	(pc) =	sbr.rel @!p0 .LBB2_2-.Ltmp0, $4  }
0x21: {  	[spmem:s20], [sflag:s8] =	dma.local [hbm:s22], $0x2700  }
0x22: {  	_ =	swait.ge [sflag:s21], $0x2700  }
0x23: {  	[sflag:s21] =	ssyncset.done $0x0  }
0x24: {  	[sflag:s21] =	ssyncadd.s32 $0xFFFFD900  }
.Ltmp1:
0x25: {  	(pc) =	sbr.rel @p1 .LBB2_5-.Ltmp1, $4  }
.Ltmp2:
0x26: {  	(pc) =	sbr.rel @!p1 .LBB2_4-.Ltmp2, $4  }
0x27: {  	_ = 	snop  }
0x28: {  	_ = 	snop  }
0x29: {  	p2 =	por $0x0, $0x0  }
0x2a: {  	_ = 	snop  }
.LBB2_2:
0x2b: {  	s6 =	sshrl.u32 s9, $0x3;
	s7 =	rddreg [dreg:$0x7]  }
0x2c: {  	[spmem:s6], [sflag:s8] =	dma.local [hbm:s7], $0x100  }
0x2d: {  	_ =	swait.ge [sflag:s21], $0x100  }
0x2e: {  	[sflag:s21] =	ssyncset.done $0x0  }
0x2f: {  	[sflag:s21] =	ssyncadd.s32 $0xFFFFFF00  }
.LBB2_4:
0x30: {  	s6 =	rddreg [dreg:$0x8];
	s7 =	simm.s32 $0x5280  }
0x31: {  	[tilespmem:s7], [sflag:$0x5] =	stream.linear.gather [hbm4b:s6+s4], $0x3E8, $0x38;
	[tilespmem:$0x19178] =	vst v63  }
0x32: {  	_ =	swait.ge [sflag:s21], $0x3E8  }
0x33: {  	[sflag:s21] =	ssyncset.done $0x0  }
0x34: {  	[sflag:s21] =	ssyncadd.s32 $0xFFFFFC18  }
0x35: {  	[spmem:s12] =	stream.linear.scatter [tilespmem:s7], [sflag:$0x5], $0x3E8, $0x38;
	[tilespmem:$0x19178] =	vst v63  }
0x36: {  	_ =	swait.ge [sflag:s21], $0x3E8  }
0x37: {  	[sflag:s21] =	ssyncset.done $0x0  }
0x38: {  	p2 =	por $0x1, $0x1;
	[sflag:s21] =	ssyncadd.s32 $0xFFFFFC18  }
.LBB2_5:
0x39: {  	[tilespmem:$0x5200] =	vst v0  }
0x3a: {  	[tilespmem:$0x5210] =	vst v0  }
0x3b: {  	[tilespmem:$0x5220] =	vst v0  }
0x3c: {  	[tilespmem:$0x5230] =	vst v0  }
0x3d: {  	[tilespmem:$0x5240] =	vst v0  }
0x3e: {  	_ =	swait.ge [sflag:s23], $0x100  }
0x3f: {  	[sflag:s23] =	ssyncset.done $0x0  }
0x40: {  	[sflag:s23] =	ssyncadd.s32 $0xFFFFFF00  }
0x41: {  	[tilespmem:s25], [sflag:$0x3] =	stream.indirect.gather [hbm4b:s1+s24], $0x80, s4, s24, $0xb8;
	[tilespmem:$0x19178] =	vst v63  }
0x42: {  	[bflag:$0x0] =	sbarrier.arrive $0xFFFF  }
0x43: {  	_ =	swait.ge [sflag:s26], $0x100  }
0x44: {  	[sflag:s26] =	ssyncset.done $0x0  }
0x45: {  	[sflag:s26] =	ssyncadd.s32 $0xFFFFFF00  }
0x46: {  	[tilespmem:s28], [sflag:$0x4] =	stream.indirect.gather [hbm4b:s1+s24], $0x80, s19, s24, $0xb8;
	[tilespmem:$0x19178] =	vst v63  }
0x47: {  	_ =	swait.ge [sflag:s29], $0x2800  }
0x48: {  	[sflag:s29] =	ssyncset.done $0x0  }
0x49: {  	[sflag:s29] =	ssyncadd.s32 $0xFFFFD800  }
0x4a: {  	[spmem:s2] =	stream.indirect.scatter.add.f32 [tilespmem:s25], [sflag:$0x5], $0x80, s30, s24, $0xb8;
	[tilespmem:$0x19178] =	vst v63  }
0x4b: {  	_ =	swait.ge [sflag:s21], $0x2800  }
0x4c: {  	[sflag:s21] =	ssyncset.done $0x0  }
0x4d: {  	[sflag:s21] =	ssyncadd.s32 $0xFFFFD800  }
0x4e: {  	[spmem:s3] =	stream.indirect.scatter.add.f32 [tilespmem:s31], [sflag:$0x5], $0x1, s30, s24, $0xb8;
	[tilespmem:$0x19178] =	vst v63  }
0x4f: {  	_ =	swait.ge [sflag:s21], $0x50  }
0x50: {  	s6 =	sadd.s32 $0xFFFFF0C0, s18;
	[sflag:s21] =	ssyncset.done $0x0  }
0x51: {  	s22 =	sadd.s32 $0xF80, s6;
	[sflag:s21] =	ssyncadd.s32 $0xFFFFFFB0  }
0x52: {  	[tilespmem:s4], [sflag:$0x1] =	stream.linear.gather [hbm4b:s22+s4], $0x100, $0x38;
	[tilespmem:$0x19178] =	vst v63  }
0x53: {  	_ =	swait.ge [sflag:s23], $0x100  }
0x54: {  	[sflag:s23] =	ssyncset.done $0x0  }
0x55: {  	[sflag:s23] =	ssyncadd.s32 $0xFFFFFF00  }
0x56: {  	[tilespmem:s25], [sflag:$0x3] =	stream.indirect.gather [hbm4b:s1+s24], $0x80, s4, s24, $0xb8;
	[tilespmem:$0x19178] =	vst v63  }
0x57: {  	_ =	swait.ge [sflag:s0], $0x2800  }
0x58: {  	[sflag:s0] =	ssyncset.done $0x0  }
0x59: {  	[sflag:s0] =	ssyncadd.s32 $0xFFFFD800  }
0x5a: {  	[spmem:s2] =	stream.indirect.scatter.add.f32 [tilespmem:s28], [sflag:$0x5], $0x80, s10, s24, $0xb8;
	[tilespmem:$0x19178] =	vst v63  }
0x5b: {  	_ =	swait.ge [sflag:s21], $0x2800  }
0x5c: {  	[sflag:s21] =	ssyncset.done $0x0  }
0x5d: {  	[sflag:s21] =	ssyncadd.s32 $0xFFFFD800  }
0x5e: {  	[spmem:s3] =	stream.indirect.scatter.add.f32 [tilespmem:s31], [sflag:$0x5], $0x1, s10, s24, $0xb8;
	[tilespmem:$0x19178] =	vst v63  }
0x5f: {  	_ =	swait.ge [sflag:s21], $0x50  }
0x60: {  	[sflag:s21] =	ssyncset.done $0x0  }
0x61: {  	s6 =	sadd.s32 $0xFA0, s6;
	s22 =	simm.s32 $0xFFFFF100;
	[sflag:s21] =	ssyncadd.s32 $0xFFFFFFB0  }
.LBB2_6:
0x62: {  	[tilespmem:s19], [sflag:$0x2] =	stream.linear.gather [hbm4b:s6+s4], $0x100, $0x38;
	[tilespmem:$0x19178] =	vst v63  }
0x63: {  	s6 =	smov.u32 s22  }
0x64: {  	p3 =	sne.s32 s22, $0xFFFFFFC0;
	s22 =	sadd.s32 $0x40, s22;
	_ =	swait.ge [sflag:s26], $0x100  }
0x65: {  	[sflag:s26] =	ssyncset.done $0x0  }
0x66: {  	[sflag:s26] =	ssyncadd.s32 $0xFFFFFF00  }
0x67: {  	[tilespmem:s28], [sflag:$0x4] =	stream.indirect.gather [hbm4b:s1+s24], $0x80, s19, s24, $0xb8;
	[tilespmem:$0x19178] =	vst v63  }
0x68: {  	_ =	swait.ge [sflag:s29], $0x2800  }
0x69: {  	[sflag:s29] =	ssyncset.done $0x0  }
0x6a: {  	[sflag:s29] =	ssyncadd.s32 $0xFFFFD800  }
0x6b: {  	[spmem:s2] =	stream.indirect.scatter.add.f32 [tilespmem:s25], [sflag:$0x5], $0x80, s30, s24, $0xb8;
	[tilespmem:$0x19178] =	vst v63  }
0x6c: {  	_ =	swait.ge [sflag:s21], $0x2800  }
0x6d: {  	[sflag:s21] =	ssyncset.done $0x0  }
0x6e: {  	[sflag:s21] =	ssyncadd.s32 $0xFFFFD800  }
0x6f: {  	[spmem:s3] =	stream.indirect.scatter.add.f32 [tilespmem:s31], [sflag:$0x5], $0x1, s30, s24, $0xb8;
	[tilespmem:$0x19178] =	vst v63  }
0x70: {  	_ =	swait.ge [sflag:s21], $0x50  }
0x71: {  	s6 =	sadd.s32 s6, s18;
	[sflag:s21] =	ssyncset.done $0x0  }
0x72: {  	s7 =	sadd.s32 $0xF80, s6;
	[sflag:s21] =	ssyncadd.s32 $0xFFFFFFB0  }
0x73: {  	[tilespmem:s4], [sflag:$0x1] =	stream.linear.gather [hbm4b:s7+s4], $0x100, $0x38;
	[tilespmem:$0x19178] =	vst v63  }
0x74: {  	_ =	swait.ge [sflag:s23], $0x100  }
0x75: {  	[sflag:s23] =	ssyncset.done $0x0  }
0x76: {  	[sflag:s23] =	ssyncadd.s32 $0xFFFFFF00  }
0x77: {  	[tilespmem:s25], [sflag:$0x3] =	stream.indirect.gather [hbm4b:s1+s24], $0x80, s4, s24, $0xb8;
	[tilespmem:$0x19178] =	vst v63  }
0x78: {  	_ =	swait.ge [sflag:s0], $0x2800  }
0x79: {  	[sflag:s0] =	ssyncset.done $0x0  }
0x7a: {  	[sflag:s0] =	ssyncadd.s32 $0xFFFFD800  }
0x7b: {  	[spmem:s2] =	stream.indirect.scatter.add.f32 [tilespmem:s28], [sflag:$0x5], $0x80, s10, s24, $0xb8;
	[tilespmem:$0x19178] =	vst v63  }
0x7c: {  	_ =	swait.ge [sflag:s21], $0x2800  }
0x7d: {  	[sflag:s21] =	ssyncset.done $0x0  }
.Ltmp3:
0x7e: {  	[sflag:s21] =	ssyncadd.s32 $0xFFFFD800;
	(pc) =	sbr.rel @p3 .LBB2_6-.Ltmp3, $4  }
0x7f: {  	[spmem:s3] =	stream.indirect.scatter.add.f32 [tilespmem:s31], [sflag:$0x5], $0x1, s10, s24, $0xb8;
	[tilespmem:$0x19178] =	vst v63  }
0x80: {  	_ =	swait.ge [sflag:s21], $0x50  }
0x81: {  	[sflag:s21] =	ssyncset.done $0x0  }
0x82: {  	s6 =	sadd.s32 $0xFA0, s6;
	[sflag:s21] =	ssyncadd.s32 $0xFFFFFFB0  }
0x83: {  	[tilespmem:s19], [sflag:$0x2] =	stream.linear.gather [hbm4b:s6+s4], $0x100, $0x38;
	[tilespmem:$0x19178] =	vst v63  }
0x84: {  	_ =	swait.ge [sflag:s26], $0x100  }
0x85: {  	[sflag:s26] =	ssyncset.done $0x0  }
0x86: {  	[sflag:s26] =	ssyncadd.s32 $0xFFFFFF00  }
0x87: {  	[tilespmem:s28], [sflag:$0x4] =	stream.indirect.gather [hbm4b:s1+s24], $0x80, s19, s24, $0xb8;
	[tilespmem:$0x19178] =	vst v63  }
0x88: {  	_ =	swait.ge [sflag:s29], $0x2800  }
0x89: {  	[sflag:s29] =	ssyncset.done $0x0  }
0x8a: {  	[sflag:s29] =	ssyncadd.s32 $0xFFFFD800  }
0x8b: {  	[spmem:s2] =	stream.indirect.scatter.add.f32 [tilespmem:s25], [sflag:$0x5], $0x80, s30, s24, $0xb8;
	[tilespmem:$0x19178] =	vst v63  }
0x8c: {  	_ =	swait.ge [sflag:s21], $0x2800  }
0x8d: {  	[sflag:s21] =	ssyncset.done $0x0  }
0x8e: {  	[sflag:s21] =	ssyncadd.s32 $0xFFFFD800  }
0x8f: {  	[spmem:s3] =	stream.indirect.scatter.add.f32 [tilespmem:s31], [sflag:$0x5], $0x1, s30, s24, $0xb8;
	[tilespmem:$0x19178] =	vst v63  }
0x90: {  	_ =	swait.ge [sflag:s21], $0x50  }
0x91: {  	[sflag:s21] =	ssyncset.done $0x0  }
0x92: {  	[sflag:s21] =	ssyncadd.s32 $0xFFFFFFB0  }
0x93: {  	[tilespmem:s4], [sflag:$0x1] =	stream.linear.gather [hbm4b:s17+s4], $0x100, $0x38;
	[tilespmem:$0x19178] =	vst v63  }
0x94: {  	_ =	swait.ge [sflag:s23], $0x100  }
0x95: {  	[sflag:s23] =	ssyncset.done $0x0  }
0x96: {  	[sflag:s23] =	ssyncadd.s32 $0xFFFFFF00  }
0x97: {  	[tilespmem:s25], [sflag:$0x3] =	stream.indirect.gather [hbm4b:s1+s24], $0x80, s4, s24, $0xb8;
	[tilespmem:$0x19178] =	vst v63  }
0x98: {  	_ =	swait.ge [sflag:s0], $0x2800  }
0x99: {  	[sflag:s0] =	ssyncset.done $0x0  }
0x9a: {  	[sflag:s0] =	ssyncadd.s32 $0xFFFFD800  }
0x9b: {  	[spmem:s2] =	stream.indirect.scatter.add.f32 [tilespmem:s28], [sflag:$0x5], $0x80, s10, s24, $0xb8;
	[tilespmem:$0x19178] =	vst v63  }
0x9c: {  	_ =	swait.ge [sflag:s21], $0x2800  }
0x9d: {  	[sflag:s21] =	ssyncset.done $0x0  }
0x9e: {  	[sflag:s21] =	ssyncadd.s32 $0xFFFFD800  }
0x9f: {  	[spmem:s3] =	stream.indirect.scatter.add.f32 [tilespmem:s31], [sflag:$0x5], $0x1, s10, s24, $0xb8;
	[tilespmem:$0x19178] =	vst v63  }
0xa0: {  	_ =	swait.ge [sflag:s21], $0x50  }
0xa1: {  	[sflag:s21] =	ssyncset.done $0x0  }
0xa2: {  	[sflag:s21] =	ssyncadd.s32 $0xFFFFFFB0  }
0xa3: {  	_ =	swait.ge [sflag:s29], $0x2800  }
0xa4: {  	[sflag:s29] =	ssyncset.done $0x0  }
0xa5: {  	[sflag:s29] =	ssyncadd.s32 $0xFFFFD800  }
0xa6: {  	[spmem:s2] =	stream.indirect.scatter.add.f32 [tilespmem:s25], [sflag:$0x5], $0x80, s30, s24, $0xb8;
	[tilespmem:$0x19178] =	vst v63  }
0xa7: {  	_ =	swait.ge [sflag:s21], $0x2800  }
0xa8: {  	[sflag:s21] =	ssyncset.done $0x0  }
0xa9: {  	[sflag:s21] =	ssyncadd.s32 $0xFFFFD800  }
0xaa: {  	[spmem:s3] =	stream.indirect.scatter.add.f32 [tilespmem:s31], [sflag:$0x5], $0x1, s30, s24, $0xb8;
	[tilespmem:$0x19178] =	vst v63  }
0xab: {  	_ =	swait.ge [sflag:s21], $0x50  }
0xac: {  	[sflag:s21] =	ssyncset.done $0x0  }
0xad: {  	[sflag:s21] =	ssyncadd.s32 $0xFFFFFFB0  }
0xae: {  	[bflag:$0x0] =	sbarrier.arrive $0xFFFF  }
0xaf: {  	[hbm:s13], [sflag:s8] =	dma.local [spmem:s20], $0x2700  }
0xb0: {  	_ =	swait.ge [sflag:s21], $0x2700  }
0xb1: {  	[sflag:s21] =	ssyncset.done $0x0  }
0xb2: {  	s6 =	sshrl.u32 @!p0 s9, $0x3;
	[sflag:s21] =	ssyncadd.s32 $0xFFFFD900  }
0xb3: {  	[hbm:s14], [sflag:s8] =	dma.local @!p0 [spmem:s6], $0x100  }
0xb4: {  	s6 =	simm.s32 @!p0 $0x5  }
0xb5: {  	_ =	swait.ge @!p0 [sflag:s6], $0x100  }
0xb6: {  	[sflag:s6] =	ssyncset.done @!p0 $0x0  }
0xb7: {  	s7 =	simm.s32 @p2 $0x5;
	[sflag:s6] =	ssyncadd.s32 @!p0 $0xFFFFFF00;
	s6 =	simm.s32 @p2 $0x5280  }
0xb8: {  	[tilespmem:s6], [sflag:$0x5] =	stream.linear.gather @p2 [spmem:s12], $0x3E8, $0x38;
	[tilespmem:$0x19178] =	vst v63  }
0xb9: {  	s11 =	sadd.s32 $0x1, s11;
	_ =	swait.ge @p2 [sflag:s7], $0x3E8  }
0xba: {  	p3 =	sne.s32 s11, s16;
	[sflag:s7] =	ssyncset.done @p2 $0x0  }
.Ltmp4:
0xbb: {  	s22 =	simm.s32 @p2 $0x0;
	[sflag:s7] =	ssyncadd.s32 @p2 $0xFFFFFC18;
	(pc) =	sbr.rel @p3 .LBB2_1-.Ltmp4, $4  }
0xbc: {  	[hbm4b:s15+s22] =	stream.linear.scatter @p2 [tilespmem:s6], [sflag:$0x5], $0x3E8, $0x38;
	[tilespmem:$0x19178] =	vst v63  }
0xbd: {  	_ =	swait.ge @p2 [sflag:s7], $0x3E8  }
0xbe: {  	[sflag:s7] =	ssyncset.done @p2 $0x0  }
0xbf: {  	[sflag:s7] =	ssyncadd.s32 @p2 $0xFFFFFC18  }
0xc0: {  	_ =	sfence.sel $0x180000  }
0xc1: {  	[bflag:$0x0] =	sbarrier.arrive $0xFFFF  }
0xc2: {  	_ =	strace $0x90000047  }
0xc3: {  	[bflag:$0x2] =	sbarrier.arrive $0xFFFF  }
0xc4: {  	s0 =	rddreg [dreg:$0x4]  }
0xc5: {  	s0 =	sadd.s32 @!p0 $0x100000, s0  }
0xc6: {  	[sflag:s0] =	ssyncadd.tile.s32 @!p0 $0x1;
	_ =	shalt  }
.Lfunc_end2:
_tile_overlayer_lowered:
.L_overlay_start_2:
0xc7: {  	(tag) =	ssettag $0x2  }
0xc8: {  	s0 =	rddreg [dreg:$0x0];
	s2 =	stileid.u32  }
0xc9: {  	s1 =	rddreg [dreg:$0x1];
	p0 =	sne.s32 s2, $0x0  }
0xca: {  	s3 =	rddreg [dreg:$0x2];
	[bflag:$0x3] =	sbarrier.arrive $0xFFFF;
	s2 =	simm.s32 @!p0 $0x1C05  }
0xcb: {  	[timem:s3], [sflag:s2] =	dma.local @!p0 [hbm:s0], s1  }
0xcc: {  	s0 =	simm.s32 @!p0 $0x5  }
0xcd: {  	_ =	swait.ge @!p0 [sflag:s0], s1  }
0xce: {  	s1 =	ssub.s32 @!p0 $0x0, s1;
	[sflag:s0] =	ssyncset.done @!p0 $0x0  }
0xcf: {  	[sflag:s0] =	ssyncadd.s32 @!p0 s1  }
0xd0: {  	[bflag:$0x3] =	sbarrier.arrive $0xFFFF  }
0xd1: {  	_ =	shalt  }

// kernel: kernel.9.cloned.1.call-start
scs
__scs_entry_jumppad:
0x0: {  	(pc) =	sbr.rel $0x88, $3  }
0x1: {  	(tag) =	ssettag $0x0;
	lr =	simm.s32 $0x1  }
0x2: {  	[smem:$0x3F90] =	sst lr;
	_ =	strace $0xD0000000  }
0x3: {  	_ = 	snop  }
0x4: {  	_ = 	snop  }
0x5: {  	_ = 	snop  }
0x6: {  	_ = 	snop  }
0x7: {  	_ = 	snop  }
__scs_overlays_trampoline_lowered:
0x8: {  	[smem:$0x3F9F] =	sst s0  }
0x9: {  	[smem:$0x3FA0] =	sst s1  }
0xa: {  	[smem:$0x3FA1] =	sst s2  }
0xb: {  	[smem:$0x3FA2] =	sst s3  }
0xc: {  	[smem:$0x3FA3] =	sst s4  }
0xd: {  	[smem:$0x3FA4] =	sst s5  }
0xe: {  	[smem:$0x3FA5] =	sst s6  }
0xf: {  	[smem:$0x3FA6] =	sst s7  }
0x10: {  	[smem:$0x3FA7] =	sst s8  }
0x11: {  	[smem:$0x3FA8] =	sst s9;
	s0 =	simm.s32 @!p0 $0x0  }
0x12: {  	s1 =	sld [smem:$0x3F8E];
	s0 =	simm.s32 @p0 $0x1  }
0x13: {  	[smem:$0x3FA9] =	sst s0;
	s0 =	simm.s32 @!p1 $0x0  }
0x14: {  	s2 =	sld [smem:$0x3F8D];
	s0 =	simm.s32 @p1 $0x1  }
0x15: {  	[smem:$0x3FAA] =	sst s0;
	s0 =	simm.s32 @!p2 $0x0  }
0x16: {  	s3 =	sld [smem:$0x3FDB];
	s0 =	simm.s32 @p2 $0x1  }
0x17: {  	s4 =	simm.s32 $0x1BF5;
	[smem:$0x3FAC] =	sst s0  }
0x18: {  	s0 =	sld [smem:$0x3F8F];
	_ =	swait.ge [sflag:s4], $0x0  }
0x19: {  	s7 =	sld [smem:$0x3F90]  }
0x1a: {  	s8 =	sadd.s32 $0xFFFFE003, lr  }
0x1b: {  	s9 =	sadd.s32 $0xFFFFFEF7, lr;
	s5 =	simm.s32 $0xFFFFFFFF;
	p2 =	slt.u32 s8, $0xFFFFF086  }
0x1c: {  	p1 =	slt.u32 s9, $0xF7A;
	s5 =	simm.s32 @!p2 $0x0  }
0x1d: {  	s5 =	simm.s32 @p1 $0x1;
	p0 =	seq.s32 s7, s2  }
0x1e: {  	s7 =	smul.u32 @!p0 $0xF7A, s2;
	p2 =	seq.s32 @!p0 s5, $0x0  }
0x1f: {  	s9 =	smul.u32 $0xF7A, s1;
	s8 =	simm.s32 @!p0 $0x1BF5;
	p2 =	por !p2, p0  }
0x20: {  	[sflag:s8] =	ssyncset.s32 @!p0 $0xFFFFF086;
	s6 =	sadd.s32 @!p0 s3, s7;
	s7 =	simm.s32 @!p0 $0x108  }
0x21: {  	s3 =	sadd.s32 s3, s9;
	s6 =	sadd.s32 @!p0 $0x88, s6;
	s7 =	simm.s32 @p2 $0x1082  }
0x22: {  	[simem:s7], [sflag:s8] =	dma.local @!p0 [hbm:s6], $0xF7A  }
0x23: {  	s9 =	sor.u32 $0xD0000000, s2;
	s6 =	simm.s32 $0x108;
	_ =	swait.ge @!p0 [sflag:s8], $0x0  }
0x24: {  	s3 =	sadd.s32 $0x88, s3;
	s6 =	simm.s32 @!p1 $0x1082;
	[sflag:s4] =	ssyncset.s32 $0xFFFFF086  }
0x25: {  	[simem:s6], [sflag:s4] =	dma.local [hbm:s3], $0xF7A  }
0x26: {  	[smem:$0x3F90] =	sst s1;
	(tag) =	ssettag s2;
	_ =	strace s9  }
0x27: {  	s1 =	sld [smem:$0x3FA0]  }
0x28: {  	s2 =	sld [smem:$0x3FA1]  }
0x29: {  	s4 =	sld [smem:$0x3FA3]  }
0x2a: {  	p0 =	seq.s32 s5, $0x0;
	s5 =	sld [smem:$0x3FA4]  }
0x2b: {  	s6 =	sld [smem:$0x3FA5]  }
0x2c: {  	s7 =	sld [smem:$0x3FA6]  }
0x2d: {  	s3 =	simm.s32 $0x108;
	s8 =	sld [smem:$0x3FA7]  }
0x2e: {  	s3 =	simm.s32 @!p0 $0x1082;
	s9 =	sld [smem:$0x3FA8]  }
0x2f: {  	lr =	sadd.s32 s0, s3;
	s0 =	sld [smem:$0x3F9F]  }
0x30: {  	s3 =	sld [smem:$0x3FA2]  }
0x31: {  	[smem:$0x3FAB] =	sst s10  }
0x32: {  	s10 =	sld [smem:$0x3FA9];
	_ =	sdelay $0x3  }
0x33: {  	p0 =	seq.s32 s10, $0x1;
	s10 =	sld [smem:$0x3FAB];
	_ =	sdelay $0x3  }
0x34: {  	[smem:$0x3FAB] =	sst s10  }
0x35: {  	s10 =	sld [smem:$0x3FAA];
	_ =	sdelay $0x3  }
0x36: {  	p1 =	seq.s32 s10, $0x1;
	s10 =	sld [smem:$0x3FAB];
	_ =	sdelay $0x3  }
0x37: {  	[smem:$0x3FAB] =	sst s10  }
0x38: {  	s10 =	sld [smem:$0x3FAC]  }
0x39: {  	_ = 	snop;
	(pc) =	sbr.ind lr, $3  }
0x3a: {  	_ = 	snop  }
0x3b: {  	_ = 	snop  }
0x3c: {  	p2 =	seq.s32 s10, $0x1;
	s10 =	sld [smem:$0x3FAB]  }
0x3d: {  	_ =	shalt  }
0x3e: {  	_ =	shalt  }
0x3f: {  	_ =	shalt  }
0x40: {  	_ =	shalt  }
0x41: {  	_ =	shalt  }
0x42: {  	_ =	shalt  }
0x43: {  	_ =	shalt  }
0x44: {  	_ =	shalt  }
0x45: {  	_ =	shalt  }
0x46: {  	_ =	shalt  }
0x47: {  	_ =	shalt  }
0x48: {  	_ =	shalt  }
0x49: {  	_ =	shalt  }
0x4a: {  	_ =	shalt  }
0x4b: {  	_ =	shalt  }
0x4c: {  	_ =	shalt  }
0x4d: {  	_ =	shalt  }
0x4e: {  	_ =	shalt  }
0x4f: {  	_ =	shalt  }
0x50: {  	_ =	shalt  }
0x51: {  	_ =	shalt  }
0x52: {  	_ =	shalt  }
0x53: {  	_ =	shalt  }
0x54: {  	_ =	shalt  }
0x55: {  	_ =	shalt  }
0x56: {  	_ =	shalt  }
0x57: {  	_ =	shalt  }
0x58: {  	_ =	shalt  }
0x59: {  	_ =	shalt  }
0x5a: {  	_ =	shalt  }
0x5b: {  	_ =	shalt  }
0x5c: {  	_ =	shalt  }
0x5d: {  	_ =	shalt  }
0x5e: {  	_ =	shalt  }
0x5f: {  	_ =	shalt  }
0x60: {  	_ =	shalt  }
0x61: {  	_ =	shalt  }
0x62: {  	_ =	shalt  }
0x63: {  	_ =	shalt  }
0x64: {  	_ =	shalt  }
0x65: {  	_ =	shalt  }
0x66: {  	_ =	shalt  }
0x67: {  	_ =	shalt  }
0x68: {  	_ =	shalt  }
0x69: {  	_ =	shalt  }
0x6a: {  	_ =	shalt  }
0x6b: {  	_ =	shalt  }
0x6c: {  	_ =	shalt  }
0x6d: {  	_ =	shalt  }
0x6e: {  	_ =	shalt  }
0x6f: {  	_ =	shalt  }
0x70: {  	_ =	shalt  }
0x71: {  	_ =	shalt  }
0x72: {  	_ =	shalt  }
0x73: {  	_ =	shalt  }
0x74: {  	_ =	shalt  }
0x75: {  	_ =	shalt  }
0x76: {  	_ =	shalt  }
0x77: {  	_ =	shalt  }
0x78: {  	_ =	shalt  }
0x79: {  	_ =	shalt  }
0x7a: {  	_ =	shalt  }
0x7b: {  	_ =	shalt  }
0x7c: {  	_ =	shalt  }
0x7d: {  	_ =	shalt  }
0x7e: {  	_ =	shalt  }
0x7f: {  	_ =	shalt  }
0x80: {  	_ =	shalt  }
0x81: {  	_ =	shalt  }
0x82: {  	_ =	shalt  }
0x83: {  	_ =	shalt  }
0x84: {  	_ =	shalt  }
0x85: {  	_ =	shalt  }
0x86: {  	_ =	shalt  }
0x87: {  	_ =	shalt  }
.Lfunc_end0:
.L_simem_size_0:
called_computation.1_lowered:
.L_overlay_start_0:
0x88: {  	s2 =	sld [smem:$0x3FD9]  }
0x89: {  	s3 =	sld [smem:$0x3FFE];
	_ =	sdelay $0x1  }
0x8a: {  	s1 =	srdreg.scid  }
0x8b: {  	s0 =	sand.u32 $0x1, s1  }
0x8c: {  	s16 =	sshll.u32 s0, $0xA;
	s2 =	sadd.s32 s3, s2  }
0x8d: {  	s2 =	sadd.s32 s2, s16  }
0x8e: {  	[smem:$0x3FB7] =	sst s2  }
0x8f: {  	_ = 	snop  }
0x90: {  	(tm) =	ssettm $0x1  }
0x91: {  	s17 =	sld [smem:$0x3FFB];
	_ =	sdelay $0x3  }
0x92: {  	_ =	strace s17  }
0x93: {  	s2 =	sld [smem:$0x3FFC];
	_ =	sdelay $0x3  }
0x94: {  	_ =	strace s2  }
0x95: {  	s2 =	sld [smem:$0x3FFD];
	_ =	sdelay $0x3  }
0x96: {  	_ =	strace s2  }
0x97: {  	_ =	strace $0x8FFFFFFF  }
0x98: {  	s18 =	sld [smem:$0x3FDB];
	_ =	sdelay $0x1  }
0x99: {  	s19 =	simm.s32 $_scs_section_size  }
0x9a: {  	s4 =	simm.s32 $_size__tile_overlayer_lowered;
	s5 =	simm.s32 $_tile_overlayer_lowered  }
0x9b: {  	s22 =	simm.s32 $0x1BFF;
	s21 =	sshll.u32 s5, $0x1;
	s2 =	sadd.s32 s19, s18  }
0x9c: {  	s6 =	simm.s32 $0x0;
	s20 =	sshll.u32 s4, $0x1;
	s4 =	sadd.s32 s21, s2  }
0x9d: {  	[timem:s6], [sflag:s22] =	dma.local [hbm:s4], s20  }
0x9e: {  	_ =	swait.ge [sflag:s22], s20  }
0x9f: {  	s3 =	ssub.s32 $0x0, s20;
	[sflag:s22] =	ssyncset.done $0x0  }
0xa0: {  	[sflag:s22] =	ssyncadd.s32 s3;
	_ =	sdelay $0x1  }
0xa1: {  	s23 =	simm.s32 $0x1B8B  }
0xa2: {  	_ =	swait.ge [sflag:s23], $0x1  }
0xa3: {  	[sflag:s23] =	ssyncset.done $0x0  }
0xa4: {  	s25 =	simm.s32 $0x1B8E;
	s24 =	sld [smem:$0x3FFE];
	[sflag:s23] =	ssyncadd.s32 $0xFFFFFFFF  }
0xa5: {  	s26 =	simm.s32 $execute0_lowered;
	[smem:$0x3FD2] =	sst s25  }
0xa6: {  	s4 =	sshll.u32 s26, $0x1;
	_ =	strace $0x80000049;
	[dreg:$0x1] =	wrdreg $0xFFFFFFFF  }
0xa7: {  	s28 =	simm.s32 $_size_execute0_lowered;
	s2 =	sadd.s32 s2, s4;
	[dreg:$0x0] =	wrdreg $0x0  }
0xa8: {  	s4 =	sshll.u32 s28, $0x1;
	[dreg:$0x2] =	wrdreg s2  }
0xa9: {  	[dreg:$0x3] =	wrdreg s4  }
0xaa: {  	[dreg:$0x4] =	wrdreg $0xC0  }
0xab: {  	_ =	task [dreg:s6], $0x5FFFF  }
0xac: {  	[dreg:$0x1] =	wrdreg $0xFFFFFFFF  }
0xad: {  	[dreg:$0x0] =	wrdreg $0x60  }
0xae: {  	[dreg:$0x2] =	wrdreg s24  }
0xaf: {  	[dreg:$0x3] =	wrdreg $0x52000  }
0xb0: {  	[dreg:$0x4] =	wrdreg $0x9  }
0xb1: {  	_ =	task.clear_ibuf [dreg:s6], $0x5FFFF;
	_ =	strace $0x90000049  }
0xb2: {  	s29 =	simm.s32 $0x9;
	_ =	strace $0x8000004B  }
0xb3: {  	_ =	swait.ge [sflag:s29], $0x1  }
0xb4: {  	[sflag:s29] =	ssyncadd.s32 $0xFFFFFFFF  }
0xb5: {  	_ =	strace $0x9000004B  }
0xb6: {  	_ =	sfence  }
0xb7: {  	s30 =	sld [smem:$0x0];
	_ =	sdelay $0x2  }
0xb8: {  	s31 =	sshll.u32 s1, $0xD;
	s1 =	sshrl.u32 s1, $0x2  }
0xb9: {  	s3 =	sand.u32 $0x4000, s31;
	s1 =	sadd.s32 s1, s30  }
0xba: {  	s0 =	sor.u32 s3, s0;
	s1 =	sshll.u32 s1, $0x11  }
0xbb: {  	s0 =	sor.u32 s1, s0  }
0xbc: {  	s0 =	sadd.s32 $0x8F2B, s0  }
0xbd: {  	[sflag:s0] =	ssyncadd.remote.s32 $0x1  }
0xbe: {  	_ =	sfence.sel $0xFFFF  }
0xbf: {  	[dreg:$0x0] =	wrdreg $0xFFFFFFFF;
	(pc) =	sbr.abs _section_cstart, $3  }
0xc0: {  	[dreg:$0x1] =	wrdreg $0xFFFFFFFF  }
0xc1: {  	_ =	task.clear_ibuf [dreg:s6], $0x2FFFF;
	_ =	strace $0x9FFFFFFF  }
0xc2: {  	(tm) =	ssettm $0x7FFFFFFF  }
0xc3: {  	_ =	shalt  }
tec
execute0_lowered:
.L_overlay_start_1:
0x0: {  	(tag) =	ssettag $0x1  }
0x1: {  	s8 =	rddreg [dreg:$0x0]  }
0x2: {  	s1 =	rddreg [dreg:$0x1]  }
0x3: {  	s0 =	rddreg [dreg:$0x2];
	s3 =	srdreg.scid  }
0x4: {  	s2 =	simm.s32 $0x0;
	s14 =	stileid.u32;
	s20 =	simm.s32 $0x200  }
0x5: {  	s21 =	simm.s32 $0x2;
	s22 =	simm.s32 $0x2A00;
	s28 =	simm.s32 $0x0  }
0x6: {  	s9 =	sand.u32 $0x1, s3;
	[smem:$0x7FF] =	sst s2;
	s10 =	smul.u32 $0x2700, s14  }
0x7: {  	s3 =	sadd.s32 $0x49600, s8;
	s11 =	sadd.s32 $0x3000, s8;
	s13 =	smul.u32 $0x4E000, s14  }
0x8: {  	s12 =	sadd.s32 $0xE6A00, s8;
	s24 =	sshll.u32 s14, $0x6;
	s30 =	smul.u32 $0xFA0, s14  }
0x9: {  	s17 =	sadd.s32 $0x138000, s1;
	p0 =	sne.s32 s14, $0x0;
	s25 =	smul.u32 $0x138800, s9  }
0xa: {  	s4 =	sshll.u32 s9, $0x4;
	_ =	strace $0x8000004A;
	s18 =	smul.u32 $0x27100, s9  }
0xb: {  	s7 =	ssub.s32 $0x2, s9;
	s19 =	smul.u32 $0xFA00, s9;
	s17 =	sshrl.u32 @!p0 s17, $0x3  }
0xc: {  	s4 =	sor.u32 s14, s4;
	s6 =	sadd.s32 s10, s8;
	s15 =	sshrl.u32 s7, $0x1  }
0xd: {  	s23 =	sshrl.u32 s13, $0x2;
	s8 =	sadd.s32 $0x49400, s8;
	s5 =	smul.u32 $0x7D00, s4  }
0xe: {  	s14 =	simm.s32 $0x100;
	s4 =	smul.u32 $0xFA0, s4;
	s15 =	ssub.s32 s7, s15  }
0xf: {  	s16 =	sadd.s32 s23, s1;
	s6 =	sadd.s32 $0x22400, s6;
	s7 =	sor.u32 $0x1C05, s24  }
0x10: {  	s13 =	sshrl.u32 s25, $0x3;
	s26 =	sadd.s32 s10, s18;
	s31 =	sadd.s32 s19, s11  }
0x11: {  	s18 =	simm.s32 $0x1;
	s19 =	simm.s32 $0x50;
	s23 =	simm.s32 $0x3  }
0x12: {  	s24 =	simm.s32 $0x80;
	s25 =	simm.s32 $0x4;
	s29 =	sadd.s32 s12, s13  }
0x13: {  	s9 =	sadd.s32 s12, s26;
	s13 =	sadd.s32 s30, s31;
	s26 =	simm.s32 $0x180  }
0x14: {  	s5 =	sshrl.u32 s5, $0x3;
	s4 =	sadd.s32 s11, s4;
	s10 =	sadd.s32 $0x27000, s29  }
0x15: {  	s5 =	sadd.s32 s11, s5;
	s11 =	smax.u32 s15, $0x1;
	s12 =	sadd.s32 $0xF80, s4  }
0x16: {  	s15 =	sshrl.u32 s16, $0x3;
	s16 =	simm.s32 $0x5;
	s5 =	sadd.s32 $0x20, s5  }
.LBB2_1:
0x17: {  	[tilespmem:s2], [sflag:$0x1] =	stream.linear.gather [hbm4b:s4+s2], $0x100, $0x38;
	[tilespmem:$0x18A80] =	vst v63  }
0x18: {  	_ = 	snop  }
0x19: {  	[tilespmem:s14], [sflag:$0x2] =	stream.linear.gather [hbm4b:s5+s2], $0x100, $0x38;
	[tilespmem:$0x18A80] =	vst v63  }
0x1a: {  	[spmem:s15], [sflag:s7] =	dma.local [hbm:s6], $0x2700  }
0x1b: {  	_ =	swait.ge [sflag:s16], $0x2700  }
0x1c: {  	[sflag:s16] =	ssyncset.done $0x0  }
0x1d: {  	s29 =	simm.s32 @!p0 $0x5;
	[sflag:s16] =	ssyncadd.s32 $0xFFFFD900  }
0x1e: {  	[spmem:s17], [sflag:s7] =	dma.local @!p0 [hbm:s8], $0x100  }
0x1f: {  	_ =	swait.ge @!p0 [sflag:s29], $0x100  }
0x20: {  	[sflag:s29] =	ssyncset.done @!p0 $0x0  }
0x21: {  	[sflag:s29] =	ssyncadd.s32 @!p0 $0xFFFFFF00  }
0x22: {  	_ =	swait.ge [sflag:s18], $0x100  }
0x23: {  	[sflag:s18] =	ssyncset.done $0x0  }
0x24: {  	[sflag:s18] =	ssyncadd.s32 $0xFFFFFF00  }
0x25: {  	[tilespmem:s20], [sflag:$0x3] =	stream.indirect.gather [hbm4b:s3+s19], $0x80, s2, s19, $0xb8;
	[tilespmem:$0x18A80] =	vst v63  }
0x26: {  	[bflag:$0x0] =	sbarrier.arrive $0xFFFF  }
0x27: {  	_ =	swait.ge [sflag:s21], $0x100  }
0x28: {  	[sflag:s21] =	ssyncset.done $0x0  }
0x29: {  	[sflag:s21] =	ssyncadd.s32 $0xFFFFFF00  }
0x2a: {  	[tilespmem:s22], [sflag:$0x4] =	stream.indirect.gather [hbm4b:s3+s19], $0x80, s14, s19, $0xb8;
	[tilespmem:$0x18A80] =	vst v63  }
0x2b: {  	_ =	swait.ge [sflag:s23], $0x2800  }
0x2c: {  	[sflag:s23] =	ssyncset.done $0x0  }
0x2d: {  	[sflag:s23] =	ssyncadd.s32 $0xFFFFD800  }
0x2e: {  	[spmem:s1] =	stream.indirect.scatter.add.f32 [tilespmem:s20], [sflag:$0x5], $0x80, s24, s19, $0xb8;
	[tilespmem:$0x18A80] =	vst v63  }
0x2f: {  	_ =	swait.ge [sflag:s16], $0x2800  }
0x30: {  	s30 =	sadd.s32 $0xFFFFF0C0, s13;
	[sflag:s16] =	ssyncset.done $0x0  }
0x31: {  	s29 =	sadd.s32 $0xF80, s30;
	[sflag:s16] =	ssyncadd.s32 $0xFFFFD800  }
0x32: {  	[tilespmem:s2], [sflag:$0x1] =	stream.linear.gather [hbm4b:s29+s2], $0x100, $0x38;
	[tilespmem:$0x18A80] =	vst v63  }
0x33: {  	_ =	swait.ge [sflag:s18], $0x100  }
0x34: {  	[sflag:s18] =	ssyncset.done $0x0  }
0x35: {  	[sflag:s18] =	ssyncadd.s32 $0xFFFFFF00  }
0x36: {  	[tilespmem:s20], [sflag:$0x3] =	stream.indirect.gather [hbm4b:s3+s19], $0x80, s2, s19, $0xb8;
	[tilespmem:$0x18A80] =	vst v63  }
0x37: {  	_ =	swait.ge [sflag:s25], $0x2800  }
0x38: {  	[sflag:s25] =	ssyncset.done $0x0  }
0x39: {  	[sflag:s25] =	ssyncadd.s32 $0xFFFFD800  }
0x3a: {  	[spmem:s1] =	stream.indirect.scatter.add.f32 [tilespmem:s22], [sflag:$0x5], $0x80, s26, s19, $0xb8;
	[tilespmem:$0x18A80] =	vst v63  }
0x3b: {  	_ =	swait.ge [sflag:s16], $0x2800  }
0x3c: {  	[sflag:s16] =	ssyncset.done $0x0  }
0x3d: {  	s30 =	sadd.s32 $0xFA0, s30;
	s29 =	simm.s32 $0xFFFFF100;
	[sflag:s16] =	ssyncadd.s32 $0xFFFFD800  }
.LBB2_2:
0x3e: {  	[tilespmem:s14], [sflag:$0x2] =	stream.linear.gather [hbm4b:s30+s2], $0x100, $0x38;
	[tilespmem:$0x18A80] =	vst v63  }
0x3f: {  	s30 =	smov.u32 s29  }
0x40: {  	p1 =	sne.s32 s29, $0xFFFFFFC0;
	s29 =	sadd.s32 $0x40, s29;
	_ =	swait.ge [sflag:s21], $0x100  }
0x41: {  	[sflag:s21] =	ssyncset.done $0x0  }
0x42: {  	[sflag:s21] =	ssyncadd.s32 $0xFFFFFF00  }
0x43: {  	[tilespmem:s22], [sflag:$0x4] =	stream.indirect.gather [hbm4b:s3+s19], $0x80, s14, s19, $0xb8;
	[tilespmem:$0x18A80] =	vst v63  }
0x44: {  	_ =	swait.ge [sflag:s23], $0x2800  }
0x45: {  	[sflag:s23] =	ssyncset.done $0x0  }
0x46: {  	[sflag:s23] =	ssyncadd.s32 $0xFFFFD800  }
0x47: {  	[spmem:s1] =	stream.indirect.scatter.add.f32 [tilespmem:s20], [sflag:$0x5], $0x80, s24, s19, $0xb8;
	[tilespmem:$0x18A80] =	vst v63  }
0x48: {  	_ =	swait.ge [sflag:s16], $0x2800  }
0x49: {  	s30 =	sadd.s32 s30, s13;
	[sflag:s16] =	ssyncset.done $0x0  }
0x4a: {  	s31 =	sadd.s32 $0xF80, s30;
	[sflag:s16] =	ssyncadd.s32 $0xFFFFD800  }
0x4b: {  	[tilespmem:s2], [sflag:$0x1] =	stream.linear.gather [hbm4b:s31+s2], $0x100, $0x38;
	[tilespmem:$0x18A80] =	vst v63  }
0x4c: {  	_ =	swait.ge [sflag:s18], $0x100  }
0x4d: {  	[sflag:s18] =	ssyncset.done $0x0  }
0x4e: {  	[sflag:s18] =	ssyncadd.s32 $0xFFFFFF00  }
0x4f: {  	[tilespmem:s20], [sflag:$0x3] =	stream.indirect.gather [hbm4b:s3+s19], $0x80, s2, s19, $0xb8;
	[tilespmem:$0x18A80] =	vst v63  }
0x50: {  	_ =	swait.ge [sflag:s25], $0x2800  }
0x51: {  	[sflag:s25] =	ssyncset.done $0x0  }
.Ltmp0:
0x52: {  	[sflag:s25] =	ssyncadd.s32 $0xFFFFD800;
	(pc) =	sbr.rel @p1 .LBB2_2-.Ltmp0, $4  }
0x53: {  	[spmem:s1] =	stream.indirect.scatter.add.f32 [tilespmem:s22], [sflag:$0x5], $0x80, s26, s19, $0xb8;
	[tilespmem:$0x18A80] =	vst v63  }
0x54: {  	_ =	swait.ge [sflag:s16], $0x2800  }
0x55: {  	[sflag:s16] =	ssyncset.done $0x0  }
0x56: {  	s30 =	sadd.s32 $0xFA0, s30;
	[sflag:s16] =	ssyncadd.s32 $0xFFFFD800  }
0x57: {  	[tilespmem:s14], [sflag:$0x2] =	stream.linear.gather [hbm4b:s30+s2], $0x100, $0x38;
	[tilespmem:$0x18A80] =	vst v63  }
0x58: {  	_ =	swait.ge [sflag:s21], $0x100  }
0x59: {  	[sflag:s21] =	ssyncset.done $0x0  }
0x5a: {  	[sflag:s21] =	ssyncadd.s32 $0xFFFFFF00  }
0x5b: {  	[tilespmem:s22], [sflag:$0x4] =	stream.indirect.gather [hbm4b:s3+s19], $0x80, s14, s19, $0xb8;
	[tilespmem:$0x18A80] =	vst v63  }
0x5c: {  	_ =	swait.ge [sflag:s23], $0x2800  }
0x5d: {  	[sflag:s23] =	ssyncset.done $0x0  }
0x5e: {  	[sflag:s23] =	ssyncadd.s32 $0xFFFFD800  }
0x5f: {  	[spmem:s1] =	stream.indirect.scatter.add.f32 [tilespmem:s20], [sflag:$0x5], $0x80, s24, s19, $0xb8;
	[tilespmem:$0x18A80] =	vst v63  }
0x60: {  	_ =	swait.ge [sflag:s16], $0x2800  }
0x61: {  	[sflag:s16] =	ssyncset.done $0x0  }
0x62: {  	[sflag:s16] =	ssyncadd.s32 $0xFFFFD800  }
0x63: {  	[tilespmem:s2], [sflag:$0x1] =	stream.linear.gather [hbm4b:s12+s2], $0x100, $0x38;
	[tilespmem:$0x18A80] =	vst v63  }
0x64: {  	_ =	swait.ge [sflag:s18], $0x100  }
0x65: {  	[sflag:s18] =	ssyncset.done $0x0  }
0x66: {  	[sflag:s18] =	ssyncadd.s32 $0xFFFFFF00  }
0x67: {  	[tilespmem:s20], [sflag:$0x3] =	stream.indirect.gather [hbm4b:s3+s19], $0x80, s2, s19, $0xb8;
	[tilespmem:$0x18A80] =	vst v63  }
0x68: {  	_ =	swait.ge [sflag:s25], $0x2800  }
0x69: {  	[sflag:s25] =	ssyncset.done $0x0  }
0x6a: {  	[sflag:s25] =	ssyncadd.s32 $0xFFFFD800  }
0x6b: {  	[spmem:s1] =	stream.indirect.scatter.add.f32 [tilespmem:s22], [sflag:$0x5], $0x80, s26, s19, $0xb8;
	[tilespmem:$0x18A80] =	vst v63  }
0x6c: {  	_ =	swait.ge [sflag:s16], $0x2800  }
0x6d: {  	[sflag:s16] =	ssyncset.done $0x0  }
0x6e: {  	[sflag:s16] =	ssyncadd.s32 $0xFFFFD800  }
0x6f: {  	_ =	swait.ge [sflag:s23], $0x2800  }
0x70: {  	[sflag:s23] =	ssyncset.done $0x0  }
0x71: {  	[sflag:s23] =	ssyncadd.s32 $0xFFFFD800  }
0x72: {  	[spmem:s1] =	stream.indirect.scatter.add.f32 [tilespmem:s20], [sflag:$0x5], $0x80, s24, s19, $0xb8;
	[tilespmem:$0x18A80] =	vst v63  }
0x73: {  	_ =	swait.ge [sflag:s16], $0x2800  }
0x74: {  	[sflag:s16] =	ssyncset.done $0x0  }
0x75: {  	[sflag:s16] =	ssyncadd.s32 $0xFFFFD800  }
0x76: {  	[bflag:$0x0] =	sbarrier.arrive $0xFFFF  }
0x77: {  	[hbm:s9], [sflag:s7] =	dma.local [spmem:s15], $0x2700  }
0x78: {  	s28 =	sadd.s32 $0x1, s28;
	_ =	swait.ge [sflag:s16], $0x2700  }
0x79: {  	p1 =	sne.s32 s28, s11;
	[sflag:s16] =	ssyncset.done $0x0  }
.Ltmp1:
0x7a: {  	s29 =	simm.s32 @!p0 $0x5;
	[sflag:s16] =	ssyncadd.s32 $0xFFFFD900;
	(pc) =	sbr.rel @p1 .LBB2_1-.Ltmp1, $4  }
0x7b: {  	[hbm:s10], [sflag:s7] =	dma.local @!p0 [spmem:s17], $0x100  }
0x7c: {  	_ =	swait.ge @!p0 [sflag:s29], $0x100  }
0x7d: {  	[sflag:s29] =	ssyncset.done @!p0 $0x0  }
0x7e: {  	[sflag:s29] =	ssyncadd.s32 @!p0 $0xFFFFFF00  }
0x7f: {  	_ =	sfence.sel $0x180000  }
0x80: {  	[bflag:$0x0] =	sbarrier.arrive $0xFFFF  }
0x81: {  	_ =	strace $0x9000004A  }
0x82: {  	s0 =	sadd.s32 @!p0 $0x100000, s0;
	[bflag:$0x2] =	sbarrier.arrive $0xFFFF  }
0x83: {  	[sflag:s0] =	ssyncadd.tile.s32 @!p0 $0x1;
	_ =	shalt  }
.Lfunc_end2:
_tile_overlayer_lowered:
.L_overlay_start_2:
0x84: {  	(tag) =	ssettag $0x2  }
0x85: {  	s0 =	rddreg [dreg:$0x0];
	s2 =	stileid.u32  }
0x86: {  	s1 =	rddreg [dreg:$0x1];
	p0 =	sne.s32 s2, $0x0  }
0x87: {  	s3 =	rddreg [dreg:$0x2];
	[bflag:$0x3] =	sbarrier.arrive $0xFFFF;
	s2 =	simm.s32 @!p0 $0x1C05  }
0x88: {  	[timem:s3], [sflag:s2] =	dma.local @!p0 [hbm:s0], s1  }
0x89: {  	s0 =	simm.s32 @!p0 $0x5  }
0x8a: {  	_ =	swait.ge @!p0 [sflag:s0], s1  }
0x8b: {  	s1 =	ssub.s32 @!p0 $0x0, s1;
	[sflag:s0] =	ssyncset.done @!p0 $0x0  }
0x8c: {  	[sflag:s0] =	ssyncadd.s32 @!p0 s1  }
0x8d: {  	[bflag:$0x3] =	sbarrier.arrive $0xFFFF  }
0x8e: {  	_ =	shalt  }

</sc_bundles>
